<compile_context>
chip_gen: v7x
topology: tpu7x:2x2x1
jax: 0.10.2.dev20260603
libtpu: 0.0.44.dev20260713+nightly
codegen_flags: <defaults>
</compile_context>

<pallas_src>
import functools

import jax
import jax.numpy as jnp
from jax import lax
from jax.experimental import pallas as pl
from jax.experimental.pallas import tpu as pltpu
from jax.experimental.pallas import tpu_sc as plsc

_M = 1000000
_B = 16384
_F = 26
_K = 32
_NC = 2
_NS = 16
_L = 16
_NW = _NC * _NS
_EW = _B // _NW
_C = 32
_NCH = _EW // _C
_NR = _C * _F


def _fm_body(w_hbm, vs_hbm, b_hbm, out_hbm, idx_v, rows_v, brow_v, out_v,
             sem_r, sem_b):
    cid = lax.axis_index("c")
    sid = lax.axis_index("s")
    wid = sid * _NC + cid
    iota = lax.iota(jnp.int32, _L)
    row_step = iota * _F

    def chunk_body(c, carry):
        ebase = wid * _EW + c * _C
        pltpu.sync_copy(w_hbm.at[pl.ds(ebase * _F, _NR)], idx_v)
        cp_r = pltpu.async_copy(vs_hbm.at[idx_v], rows_v, sem_r)
        cp_b = pltpu.async_copy(b_hbm.at[idx_v], brow_v, sem_b)
        cp_r.wait()
        cp_b.wait()
        for g in range(_C // _L):
            row0 = row_step + (g * _L * _F)
            lin = plsc.load_gather(brow_v, [row0])
            for f in range(1, _F):
                lin = lin + plsc.load_gather(brow_v, [row0 + f])

            def k_body(k, kc):
                pw, q = kc
                kcol = jnp.broadcast_to(k, (_L,))
                sk = plsc.load_gather(rows_v, [row0, kcol])
                q = q + sk * sk
                for f in range(1, _F):
                    v = plsc.load_gather(rows_v, [row0 + f, kcol])
                    sk = sk + v
                    q = q + v * v
                pw = pw + sk * sk
                return pw, q

            zero = jnp.zeros((_L,), jnp.float32)
            pw, q = lax.fori_loop(0, _K, k_body, (zero, zero))
            out_v[pl.ds(g * _L, _L)] = 0.5 * (pw - q) + lin
        pltpu.sync_copy(out_v, out_hbm.at[pl.ds(ebase, _C)])
        return carry

    lax.fori_loop(0, _NCH, chunk_body, 0)


_fm = functools.partial(
    pl.kernel,
    mesh=plsc.VectorSubcoreMesh(core_axis_name="c", subcore_axis_name="s"),
    out_type=jax.ShapeDtypeStruct((_B,), jnp.float32),
    compiler_params=pltpu.CompilerParams(
        needs_layout_passes=False, use_tc_tiling_on_sc=False
    ),
    scratch_types=[
        pltpu.VMEM((_NR,), jnp.int32),
        pltpu.VMEM((_NR, _K), jnp.float32),
        pltpu.VMEM((_NR,), jnp.float32),
        pltpu.VMEM((_C,), jnp.float32),
        pltpu.SemaphoreType.DMA,
        pltpu.SemaphoreType.DMA,
    ],
)(_fm_body)


@jax.jit
def kernel(w_nz, vs, biases, bias):
    w_flat = w_nz.reshape(-1).astype(jnp.int32)
    vs_lin = (vs.reshape(-1) * jnp.float32(1.0)).reshape(_M, _K)
    out = _fm(w_flat, vs_lin, biases)
    return out + bias[0]

# --- scband reference (transcript-rebuilt; emitter-appended) ---
"""Pipeline reference for scband-fm-90735479095771 (READ-ONLY COPY).

The authoritative reference and input builder live on the scoring server;
editing this copy changes nothing except your own understanding.
"""

import jax, jax.numpy as jnp
import numpy as np

M = 1000000
K = 32
B = 16384
F = 26

def setup_inputs(seed: int = 0) -> dict:
    key = jax.random.key(seed)
    k1, k2, k3 = jax.random.split(key, 3)
    w_nz = jax.random.randint(k1, (B, F), 0, M, dtype=jnp.int64) if jax.config.jax_enable_x64 else jax.random.randint(k1, (B, F), 0, M).astype(jnp.int32)
    vs = (jax.random.truncated_normal(k2, -2.0, 2.0, (M, K), dtype=jnp.float32) * 0.01)
    biases = (jax.random.truncated_normal(k3, -2.0, 2.0, (M,), dtype=jnp.float32) * 0.01)
    bias = jnp.zeros((1,), dtype=jnp.float32)
    return {"w_nz": w_nz, "vs": vs, "biases": biases, "bias": bias}

def reference(w_nz, vs, biases, bias):
    v = jnp.take(vs, w_nz, axis=0)  # [B, F, K] embedding gather
    pow_of_sum = jnp.square(v.sum(axis=1)).sum(axis=1)  # [B]
    sum_of_pow = jnp.square(v).sum(axis=(1, 2))  # [B]
    pairwise = 0.5 * (pow_of_sum - sum_of_pow)
    linear = jnp.take(biases, w_nz, axis=0).sum(axis=1)  # [B]
    return pairwise + linear + bias

if __name__ == "__main__":
    import jax
    _d = setup_inputs()
    print(jax.jit(kernel)(*tuple(_d.values())))

</pallas_src>

<mosaic_0001>
#map = affine_map<(d0, d1) -> (0)>
#map1 = affine_map<(d0, d1) -> (0, 0)>
module attributes {stable_mosaic.version = 14 : i64} {
  func.func @_fm_body(%arg0: i32, %arg1: i32, %arg2: memref<425984xi32, #tpu.memory_space<hbm>>, %arg3: memref<1000000x32xf32, #tpu.memory_space<hbm>>, %arg4: memref<1000000xf32, #tpu.memory_space<hbm>>, %arg5: memref<16384xf32, #tpu.memory_space<hbm>>, %arg6: memref<832xi32, #tpu.memory_space<vmem>>, %arg7: memref<832x32xf32, #tpu.memory_space<vmem>>, %arg8: memref<832xf32, #tpu.memory_space<vmem>>, %arg9: memref<32xf32, #tpu.memory_space<vmem>>, %arg10: memref<!tpu.dma_semaphore, #tpu.memory_space<semaphore_mem>>, %arg11: memref<!tpu.dma_semaphore, #tpu.memory_space<semaphore_mem>>) attributes {dimension_semantics = [#tpu.dimension_semantics<core_parallel>, #tpu.dimension_semantics<subcore_parallel>], iteration_bounds = array<i64: 2, 16>, scalar_prefetch = 0 : i64, scratch_operands = 6 : i64, tpu.core_type = #tpu.core_type<sc_vector_subcore>, window_params = [{transform_indices = #map}, {transform_indices = #map1}, {transform_indices = #map}, {transform_indices = #map}]} {
    %mul3A = arith.constant 2 : i32
    %mul3A_0 = arith.muli %arg1, %mul3A : i32
    %add3A = arith.addi %mul3A_0, %arg0 : i32
    %iota3A = tpu.iota {dimensions = array<i32: 0>} : vector<16xi32>
    %mul3A_1 = arith.constant 26 : i32
    %mul3A_2 = vector.broadcast %mul3A_1 : i32 to vector<16xi32>
    %mul3A_3 = arith.muli %iota3A, %mul3A_2 : vector<16xi32>
    %scan3A = arith.constant 0 : i32
    %scan3A_4 = arith.constant 0 : i32
    %scan3A_5 = arith.constant 16 : i32
    %scan3A_6 = arith.addi %scan3A_4, %scan3A_5 : i32
    %scan3A_7 = arith.constant 1 : i32
    scf.for %scan3A_9 = %scan3A_4 to %scan3A_6 step %scan3A_7  : i32 {
      %mul3A_10 = arith.constant 512 : i32
      %mul3A_11 = arith.muli %add3A, %mul3A_10 : i32
      %mul3A_12 = arith.constant 32 : i32
      %mul3A_13 = arith.muli %scan3A_9, %mul3A_12 : i32
      %add3A_14 = arith.addi %mul3A_11, %mul3A_13 : i32
      %mul3A_15 = arith.constant 26 : i32
      %mul3A_16 = arith.muli %add3A_14, %mul3A_15 : i32
      "tpu.region"() ({
        %run_scoped3A = tpu.sem_alloc : memref<!tpu.dma_semaphore, #tpu.memory_space<semaphore_mem>>
        %dma_start3A_309 = tpu.memref_slice %arg2[%mul3A_16] : memref<425984xi32, #tpu.memory_space<hbm>> -> memref<832xi32, #tpu.memory_space<hbm>>
        %dma_start3A_310 = tpu.memref_slice %arg2[%mul3A_16] : memref<425984xi32, #tpu.memory_space<hbm>> -> memref<832xi32, #tpu.memory_space<hbm>>
        tpu.enqueue_dma source(%dma_start3A_310 : memref<832xi32, #tpu.memory_space<hbm>>) target(%arg6 : memref<832xi32, #tpu.memory_space<vmem>>) target_semaphore(%run_scoped3A : memref<!tpu.dma_semaphore, #tpu.memory_space<semaphore_mem>>)
        %dma_wait3A_311 = tpu.memref_slice %arg2[%mul3A_16] : memref<425984xi32, #tpu.memory_space<hbm>> -> memref<832xi32, #tpu.memory_space<hbm>>
        %dma_wait3A_312 = tpu.memref_slice %arg2[%mul3A_16] : memref<425984xi32, #tpu.memory_space<hbm>> -> memref<832xi32, #tpu.memory_space<hbm>>
        tpu.wait_dma2 semaphore(%run_scoped3A : memref<!tpu.dma_semaphore, #tpu.memory_space<semaphore_mem>>) src(%dma_wait3A_312 : memref<832xi32, #tpu.memory_space<hbm>>) dst(%arg6 : memref<832xi32, #tpu.memory_space<vmem>>)
        tpu.yield
      }) : () -> ()
      %dma_start3A = arith.constant 0 : i32
      %dma_start3A_17 = arith.constant 0 : i32
      %dma_start3A_18 = tpu.memref_slice %arg3[%dma_start3A, %dma_start3A_17] : memref<1000000x32xf32, #tpu.memory_space<hbm>> -> memref<1000000x32xf32, #tpu.memory_space<hbm>>
      tpu.enqueue_indirect_dma source(%dma_start3A_18 : memref<1000000x32xf32, #tpu.memory_space<hbm>>) target(%arg7 : memref<832x32xf32, #tpu.memory_space<vmem>>) offsets(%arg6 : memref<832xi32, #tpu.memory_space<vmem>>) semaphore(%arg10 : memref<!tpu.dma_semaphore, #tpu.memory_space<semaphore_mem>>)
      %dma_start3A_19 = arith.constant 0 : i32
      %dma_start3A_20 = tpu.memref_slice %arg4[%dma_start3A_19] : memref<1000000xf32, #tpu.memory_space<hbm>> -> memref<1000000xf32, #tpu.memory_space<hbm>>
      tpu.enqueue_indirect_dma source(%dma_start3A_20 : memref<1000000xf32, #tpu.memory_space<hbm>>) target(%arg8 : memref<832xf32, #tpu.memory_space<vmem>>) offsets(%arg6 : memref<832xi32, #tpu.memory_space<vmem>>) semaphore(%arg11 : memref<!tpu.dma_semaphore, #tpu.memory_space<semaphore_mem>>)
      %dma_wait3A = arith.constant 0 : i32
      %dma_wait3A_21 = arith.constant 0 : i32
      %dma_wait3A_22 = tpu.memref_slice %arg3[%dma_wait3A, %dma_wait3A_21] : memref<1000000x32xf32, #tpu.memory_space<hbm>> -> memref<1000000x32xf32, #tpu.memory_space<hbm>>
      tpu.wait_indirect_dma semaphore(%arg10 : memref<!tpu.dma_semaphore, #tpu.memory_space<semaphore_mem>>) src(%dma_wait3A_22 : memref<1000000x32xf32, #tpu.memory_space<hbm>>) dst(%arg7 : memref<832x32xf32, #tpu.memory_space<vmem>>)
      %dma_wait3A_23 = arith.constant 0 : i32
      %dma_wait3A_24 = tpu.memref_slice %arg4[%dma_wait3A_23] : memref<1000000xf32, #tpu.memory_space<hbm>> -> memref<1000000xf32, #tpu.memory_space<hbm>>
      tpu.wait_indirect_dma semaphore(%arg11 : memref<!tpu.dma_semaphore, #tpu.memory_space<semaphore_mem>>) src(%dma_wait3A_24 : memref<1000000xf32, #tpu.memory_space<hbm>>) dst(%arg8 : memref<832xf32, #tpu.memory_space<vmem>>)
      %add3A_25 = arith.constant 0 : i32
      %add3A_26 = vector.broadcast %add3A_25 : i32 to vector<16xi32>
      %add3A_27 = arith.addi %mul3A_3, %add3A_26 : vector<16xi32>
      %gather3A = tpu.vector_load_idx %arg8[%add3A_27] : memref<832xf32, #tpu.memory_space<vmem>>[vector<16xi32>], vector<16xf32>,
      %add3A_28 = arith.constant 1 : i32
      %add3A_29 = vector.broadcast %add3A_28 : i32 to vector<16xi32>
      %add3A_30 = arith.addi %add3A_27, %add3A_29 : vector<16xi32>
      %gather3A_31 = tpu.vector_load_idx %arg8[%add3A_30] : memref<832xf32, #tpu.memory_space<vmem>>[vector<16xi32>], vector<16xf32>,
      %add3A_32 = arith.addf %gather3A, %gather3A_31 : vector<16xf32>
      %add3A_33 = arith.constant 2 : i32
      %add3A_34 = vector.broadcast %add3A_33 : i32 to vector<16xi32>
      %add3A_35 = arith.addi %add3A_27, %add3A_34 : vector<16xi32>
      %gather3A_36 = tpu.vector_load_idx %arg8[%add3A_35] : memref<832xf32, #tpu.memory_space<vmem>>[vector<16xi32>], vector<16xf32>,
      %add3A_37 = arith.addf %add3A_32, %gather3A_36 : vector<16xf32>
      %add3A_38 = arith.constant 3 : i32
      %add3A_39 = vector.broadcast %add3A_38 : i32 to vector<16xi32>
      %add3A_40 = arith.addi %add3A_27, %add3A_39 : vector<16xi32>
      %gather3A_41 = tpu.vector_load_idx %arg8[%add3A_40] : memref<832xf32, #tpu.memory_space<vmem>>[vector<16xi32>], vector<16xf32>,
      %add3A_42 = arith.addf %add3A_37, %gather3A_41 : vector<16xf32>
      %add3A_43 = arith.constant 4 : i32
      %add3A_44 = vector.broadcast %add3A_43 : i32 to vector<16xi32>
      %add3A_45 = arith.addi %add3A_27, %add3A_44 : vector<16xi32>
      %gather3A_46 = tpu.vector_load_idx %arg8[%add3A_45] : memref<832xf32, #tpu.memory_space<vmem>>[vector<16xi32>], vector<16xf32>,
      %add3A_47 = arith.addf %add3A_42, %gather3A_46 : vector<16xf32>
      %add3A_48 = arith.constant 5 : i32
      %add3A_49 = vector.broadcast %add3A_48 : i32 to vector<16xi32>
      %add3A_50 = arith.addi %add3A_27, %add3A_49 : vector<16xi32>
      %gather3A_51 = tpu.vector_load_idx %arg8[%add3A_50] : memref<832xf32, #tpu.memory_space<vmem>>[vector<16xi32>], vector<16xf32>,
      %add3A_52 = arith.addf %add3A_47, %gather3A_51 : vector<16xf32>
      %add3A_53 = arith.constant 6 : i32
      %add3A_54 = vector.broadcast %add3A_53 : i32 to vector<16xi32>
      %add3A_55 = arith.addi %add3A_27, %add3A_54 : vector<16xi32>
      %gather3A_56 = tpu.vector_load_idx %arg8[%add3A_55] : memref<832xf32, #tpu.memory_space<vmem>>[vector<16xi32>], vector<16xf32>,
      %add3A_57 = arith.addf %add3A_52, %gather3A_56 : vector<16xf32>
      %add3A_58 = arith.constant 7 : i32
      %add3A_59 = vector.broadcast %add3A_58 : i32 to vector<16xi32>
      %add3A_60 = arith.addi %add3A_27, %add3A_59 : vector<16xi32>
      %gather3A_61 = tpu.vector_load_idx %arg8[%add3A_60] : memref<832xf32, #tpu.memory_space<vmem>>[vector<16xi32>], vector<16xf32>,
      %add3A_62 = arith.addf %add3A_57, %gather3A_61 : vector<16xf32>
      %add3A_63 = arith.constant 8 : i32
      %add3A_64 = vector.broadcast %add3A_63 : i32 to vector<16xi32>
      %add3A_65 = arith.addi %add3A_27, %add3A_64 : vector<16xi32>
      %gather3A_66 = tpu.vector_load_idx %arg8[%add3A_65] : memref<832xf32, #tpu.memory_space<vmem>>[vector<16xi32>], vector<16xf32>,
      %add3A_67 = arith.addf %add3A_62, %gather3A_66 : vector<16xf32>
      %add3A_68 = arith.constant 9 : i32
      %add3A_69 = vector.broadcast %add3A_68 : i32 to vector<16xi32>
      %add3A_70 = arith.addi %add3A_27, %add3A_69 : vector<16xi32>
      %gather3A_71 = tpu.vector_load_idx %arg8[%add3A_70] : memref<832xf32, #tpu.memory_space<vmem>>[vector<16xi32>], vector<16xf32>,
      %add3A_72 = arith.addf %add3A_67, %gather3A_71 : vector<16xf32>
      %add3A_73 = arith.constant 10 : i32
      %add3A_74 = vector.broadcast %add3A_73 : i32 to vector<16xi32>
      %add3A_75 = arith.addi %add3A_27, %add3A_74 : vector<16xi32>
      %gather3A_76 = tpu.vector_load_idx %arg8[%add3A_75] : memref<832xf32, #tpu.memory_space<vmem>>[vector<16xi32>], vector<16xf32>,
      %add3A_77 = arith.addf %add3A_72, %gather3A_76 : vector<16xf32>
      %add3A_78 = arith.constant 11 : i32
      %add3A_79 = vector.broadcast %add3A_78 : i32 to vector<16xi32>
      %add3A_80 = arith.addi %add3A_27, %add3A_79 : vector<16xi32>
      %gather3A_81 = tpu.vector_load_idx %arg8[%add3A_80] : memref<832xf32, #tpu.memory_space<vmem>>[vector<16xi32>], vector<16xf32>,
      %add3A_82 = arith.addf %add3A_77, %gather3A_81 : vector<16xf32>
      %add3A_83 = arith.constant 12 : i32
      %add3A_84 = vector.broadcast %add3A_83 : i32 to vector<16xi32>
      %add3A_85 = arith.addi %add3A_27, %add3A_84 : vector<16xi32>
      %gather3A_86 = tpu.vector_load_idx %arg8[%add3A_85] : memref<832xf32, #tpu.memory_space<vmem>>[vector<16xi32>], vector<16xf32>,
      %add3A_87 = arith.addf %add3A_82, %gather3A_86 : vector<16xf32>
      %add3A_88 = arith.constant 13 : i32
      %add3A_89 = vector.broadcast %add3A_88 : i32 to vector<16xi32>
      %add3A_90 = arith.addi %add3A_27, %add3A_89 : vector<16xi32>
      %gather3A_91 = tpu.vector_load_idx %arg8[%add3A_90] : memref<832xf32, #tpu.memory_space<vmem>>[vector<16xi32>], vector<16xf32>,
      %add3A_92 = arith.addf %add3A_87, %gather3A_91 : vector<16xf32>
      %add3A_93 = arith.constant 14 : i32
      %add3A_94 = vector.broadcast %add3A_93 : i32 to vector<16xi32>
      %add3A_95 = arith.addi %add3A_27, %add3A_94 : vector<16xi32>
      %gather3A_96 = tpu.vector_load_idx %arg8[%add3A_95] : memref<832xf32, #tpu.memory_space<vmem>>[vector<16xi32>], vector<16xf32>,
      %add3A_97 = arith.addf %add3A_92, %gather3A_96 : vector<16xf32>
      %add3A_98 = arith.constant 15 : i32
      %add3A_99 = vector.broadcast %add3A_98 : i32 to vector<16xi32>
      %add3A_100 = arith.addi %add3A_27, %add3A_99 : vector<16xi32>
      %gather3A_101 = tpu.vector_load_idx %arg8[%add3A_100] : memref<832xf32, #tpu.memory_space<vmem>>[vector<16xi32>], vector<16xf32>,
      %add3A_102 = arith.addf %add3A_97, %gather3A_101 : vector<16xf32>
      %add3A_103 = arith.constant 16 : i32
      %add3A_104 = vector.broadcast %add3A_103 : i32 to vector<16xi32>
      %add3A_105 = arith.addi %add3A_27, %add3A_104 : vector<16xi32>
      %gather3A_106 = tpu.vector_load_idx %arg8[%add3A_105] : memref<832xf32, #tpu.memory_space<vmem>>[vector<16xi32>], vector<16xf32>,
      %add3A_107 = arith.addf %add3A_102, %gather3A_106 : vector<16xf32>
      %add3A_108 = arith.constant 17 : i32
      %add3A_109 = vector.broadcast %add3A_108 : i32 to vector<16xi32>
      %add3A_110 = arith.addi %add3A_27, %add3A_109 : vector<16xi32>
      %gather3A_111 = tpu.vector_load_idx %arg8[%add3A_110] : memref<832xf32, #tpu.memory_space<vmem>>[vector<16xi32>], vector<16xf32>,
      %add3A_112 = arith.addf %add3A_107, %gather3A_111 : vector<16xf32>
      %add3A_113 = arith.constant 18 : i32
      %add3A_114 = vector.broadcast %add3A_113 : i32 to vector<16xi32>
      %add3A_115 = arith.addi %add3A_27, %add3A_114 : vector<16xi32>
      %gather3A_116 = tpu.vector_load_idx %arg8[%add3A_115] : memref<832xf32, #tpu.memory_space<vmem>>[vector<16xi32>], vector<16xf32>,
      %add3A_117 = arith.addf %add3A_112, %gather3A_116 : vector<16xf32>
      %add3A_118 = arith.constant 19 : i32
      %add3A_119 = vector.broadcast %add3A_118 : i32 to vector<16xi32>
      %add3A_120 = arith.addi %add3A_27, %add3A_119 : vector<16xi32>
      %gather3A_121 = tpu.vector_load_idx %arg8[%add3A_120] : memref<832xf32, #tpu.memory_space<vmem>>[vector<16xi32>], vector<16xf32>,
      %add3A_122 = arith.addf %add3A_117, %gather3A_121 : vector<16xf32>
      %add3A_123 = arith.constant 20 : i32
      %add3A_124 = vector.broadcast %add3A_123 : i32 to vector<16xi32>
      %add3A_125 = arith.addi %add3A_27, %add3A_124 : vector<16xi32>
      %gather3A_126 = tpu.vector_load_idx %arg8[%add3A_125] : memref<832xf32, #tpu.memory_space<vmem>>[vector<16xi32>], vector<16xf32>,
      %add3A_127 = arith.addf %add3A_122, %gather3A_126 : vector<16xf32>
      %add3A_128 = arith.constant 21 : i32
      %add3A_129 = vector.broadcast %add3A_128 : i32 to vector<16xi32>
      %add3A_130 = arith.addi %add3A_27, %add3A_129 : vector<16xi32>
      %gather3A_131 = tpu.vector_load_idx %arg8[%add3A_130] : memref<832xf32, #tpu.memory_space<vmem>>[vector<16xi32>], vector<16xf32>,
      %add3A_132 = arith.addf %add3A_127, %gather3A_131 : vector<16xf32>
      %add3A_133 = arith.constant 22 : i32
      %add3A_134 = vector.broadcast %add3A_133 : i32 to vector<16xi32>
      %add3A_135 = arith.addi %add3A_27, %add3A_134 : vector<16xi32>
      %gather3A_136 = tpu.vector_load_idx %arg8[%add3A_135] : memref<832xf32, #tpu.memory_space<vmem>>[vector<16xi32>], vector<16xf32>,
      %add3A_137 = arith.addf %add3A_132, %gather3A_136 : vector<16xf32>
      %add3A_138 = arith.constant 23 : i32
      %add3A_139 = vector.broadcast %add3A_138 : i32 to vector<16xi32>
      %add3A_140 = arith.addi %add3A_27, %add3A_139 : vector<16xi32>
      %gather3A_141 = tpu.vector_load_idx %arg8[%add3A_140] : memref<832xf32, #tpu.memory_space<vmem>>[vector<16xi32>], vector<16xf32>,
      %add3A_142 = arith.addf %add3A_137, %gather3A_141 : vector<16xf32>
      %add3A_143 = arith.constant 24 : i32
      %add3A_144 = vector.broadcast %add3A_143 : i32 to vector<16xi32>
      %add3A_145 = arith.addi %add3A_27, %add3A_144 : vector<16xi32>
      %gather3A_146 = tpu.vector_load_idx %arg8[%add3A_145] : memref<832xf32, #tpu.memory_space<vmem>>[vector<16xi32>], vector<16xf32>,
      %add3A_147 = arith.addf %add3A_142, %gather3A_146 : vector<16xf32>
      %add3A_148 = arith.constant 25 : i32
      %add3A_149 = vector.broadcast %add3A_148 : i32 to vector<16xi32>
      %add3A_150 = arith.addi %add3A_27, %add3A_149 : vector<16xi32>
      %gather3A_151 = tpu.vector_load_idx %arg8[%add3A_150] : memref<832xf32, #tpu.memory_space<vmem>>[vector<16xi32>], vector<16xf32>,
      %add3A_152 = arith.addf %add3A_147, %gather3A_151 : vector<16xf32>
      %broadcast_in_dim3A = arith.constant 0.000000e+00 : f32
      %broadcast_in_dim3A_153 = vector.broadcast %broadcast_in_dim3A : f32 to vector<16xf32>
      %scan3A_154 = arith.constant 0 : i32
      %scan3A_155 = arith.constant 32 : i32
      %scan3A_156 = arith.addi %scan3A_154, %scan3A_155 : i32
      %scan3A_157 = arith.constant 1 : i32
      %scan3A_158:2 = scf.for %scan3A_309 = %scan3A_154 to %scan3A_156 step %scan3A_157 iter_args(%scan3A_310 = %broadcast_in_dim3A_153, %scan3A_311 = %broadcast_in_dim3A_153) -> (vector<16xf32>, vector<16xf32>)  : i32 {
        %broadcast_in_dim3A_312 = vector.broadcast %scan3A_309 : i32 to vector<16xi32>
        %gather3A_313 = tpu.vector_load_idx %arg7[%add3A_27, %broadcast_in_dim3A_312] : memref<832x32xf32, #tpu.memory_space<vmem>>[vector<16xi32>, vector<16xi32>], vector<16xf32>,
        %mul3A_314 = arith.mulf %gather3A_313, %gather3A_313 : vector<16xf32>
        %add3A_315 = arith.addf %scan3A_311, %mul3A_314 : vector<16xf32>
        %add3A_316 = arith.constant 1 : i32
        %add3A_317 = vector.broadcast %add3A_316 : i32 to vector<16xi32>
        %add3A_318 = arith.addi %add3A_27, %add3A_317 : vector<16xi32>
        %gather3A_319 = tpu.vector_load_idx %arg7[%add3A_318, %broadcast_in_dim3A_312] : memref<832x32xf32, #tpu.memory_space<vmem>>[vector<16xi32>, vector<16xi32>], vector<16xf32>,
        %add3A_320 = arith.addf %gather3A_313, %gather3A_319 : vector<16xf32>
        %mul3A_321 = arith.mulf %gather3A_319, %gather3A_319 : vector<16xf32>
        %add3A_322 = arith.addf %add3A_315, %mul3A_321 : vector<16xf32>
        %add3A_323 = arith.constant 2 : i32
        %add3A_324 = vector.broadcast %add3A_323 : i32 to vector<16xi32>
        %add3A_325 = arith.addi %add3A_27, %add3A_324 : vector<16xi32>
        %gather3A_326 = tpu.vector_load_idx %arg7[%add3A_325, %broadcast_in_dim3A_312] : memref<832x32xf32, #tpu.memory_space<vmem>>[vector<16xi32>, vector<16xi32>], vector<16xf32>,
        %add3A_327 = arith.addf %add3A_320, %gather3A_326 : vector<16xf32>
        %mul3A_328 = arith.mulf %gather3A_326, %gather3A_326 : vector<16xf32>
        %add3A_329 = arith.addf %add3A_322, %mul3A_328 : vector<16xf32>
        %add3A_330 = arith.constant 3 : i32
        %add3A_331 = vector.broadcast %add3A_330 : i32 to vector<16xi32>
        %add3A_332 = arith.addi %add3A_27, %add3A_331 : vector<16xi32>
        %gather3A_333 = tpu.vector_load_idx %arg7[%add3A_332, %broadcast_in_dim3A_312] : memref<832x32xf32, #tpu.memory_space<vmem>>[vector<16xi32>, vector<16xi32>], vector<16xf32>,
        %add3A_334 = arith.addf %add3A_327, %gather3A_333 : vector<16xf32>
        %mul3A_335 = arith.mulf %gather3A_333, %gather3A_333 : vector<16xf32>
        %add3A_336 = arith.addf %add3A_329, %mul3A_335 : vector<16xf32>
        %add3A_337 = arith.constant 4 : i32
        %add3A_338 = vector.broadcast %add3A_337 : i32 to vector<16xi32>
        %add3A_339 = arith.addi %add3A_27, %add3A_338 : vector<16xi32>
        %gather3A_340 = tpu.vector_load_idx %arg7[%add3A_339, %broadcast_in_dim3A_312] : memref<832x32xf32, #tpu.memory_space<vmem>>[vector<16xi32>, vector<16xi32>], vector<16xf32>,
        %add3A_341 = arith.addf %add3A_334, %gather3A_340 : vector<16xf32>
        %mul3A_342 = arith.mulf %gather3A_340, %gather3A_340 : vector<16xf32>
        %add3A_343 = arith.addf %add3A_336, %mul3A_342 : vector<16xf32>
        %add3A_344 = arith.constant 5 : i32
        %add3A_345 = vector.broadcast %add3A_344 : i32 to vector<16xi32>
        %add3A_346 = arith.addi %add3A_27, %add3A_345 : vector<16xi32>
        %gather3A_347 = tpu.vector_load_idx %arg7[%add3A_346, %broadcast_in_dim3A_312] : memref<832x32xf32, #tpu.memory_space<vmem>>[vector<16xi32>, vector<16xi32>], vector<16xf32>,
        %add3A_348 = arith.addf %add3A_341, %gather3A_347 : vector<16xf32>
        %mul3A_349 = arith.mulf %gather3A_347, %gather3A_347 : vector<16xf32>
        %add3A_350 = arith.addf %add3A_343, %mul3A_349 : vector<16xf32>
        %add3A_351 = arith.constant 6 : i32
        %add3A_352 = vector.broadcast %add3A_351 : i32 to vector<16xi32>
        %add3A_353 = arith.addi %add3A_27, %add3A_352 : vector<16xi32>
        %gather3A_354 = tpu.vector_load_idx %arg7[%add3A_353, %broadcast_in_dim3A_312] : memref<832x32xf32, #tpu.memory_space<vmem>>[vector<16xi32>, vector<16xi32>], vector<16xf32>,
        %add3A_355 = arith.addf %add3A_348, %gather3A_354 : vector<16xf32>
        %mul3A_356 = arith.mulf %gather3A_354, %gather3A_354 : vector<16xf32>
        %add3A_357 = arith.addf %add3A_350, %mul3A_356 : vector<16xf32>
        %add3A_358 = arith.constant 7 : i32
        %add3A_359 = vector.broadcast %add3A_358 : i32 to vector<16xi32>
        %add3A_360 = arith.addi %add3A_27, %add3A_359 : vector<16xi32>
        %gather3A_361 = tpu.vector_load_idx %arg7[%add3A_360, %broadcast_in_dim3A_312] : memref<832x32xf32, #tpu.memory_space<vmem>>[vector<16xi32>, vector<16xi32>], vector<16xf32>,
        %add3A_362 = arith.addf %add3A_355, %gather3A_361 : vector<16xf32>
        %mul3A_363 = arith.mulf %gather3A_361, %gather3A_361 : vector<16xf32>
        %add3A_364 = arith.addf %add3A_357, %mul3A_363 : vector<16xf32>
        %add3A_365 = arith.constant 8 : i32
        %add3A_366 = vector.broadcast %add3A_365 : i32 to vector<16xi32>
        %add3A_367 = arith.addi %add3A_27, %add3A_366 : vector<16xi32>
        %gather3A_368 = tpu.vector_load_idx %arg7[%add3A_367, %broadcast_in_dim3A_312] : memref<832x32xf32, #tpu.memory_space<vmem>>[vector<16xi32>, vector<16xi32>], vector<16xf32>,
        %add3A_369 = arith.addf %add3A_362, %gather3A_368 : vector<16xf32>
        %mul3A_370 = arith.mulf %gather3A_368, %gather3A_368 : vector<16xf32>
        %add3A_371 = arith.addf %add3A_364, %mul3A_370 : vector<16xf32>
        %add3A_372 = arith.constant 9 : i32
        %add3A_373 = vector.broadcast %add3A_372 : i32 to vector<16xi32>
        %add3A_374 = arith.addi %add3A_27, %add3A_373 : vector<16xi32>
        %gather3A_375 = tpu.vector_load_idx %arg7[%add3A_374, %broadcast_in_dim3A_312] : memref<832x32xf32, #tpu.memory_space<vmem>>[vector<16xi32>, vector<16xi32>], vector<16xf32>,
        %add3A_376 = arith.addf %add3A_369, %gather3A_375 : vector<16xf32>
        %mul3A_377 = arith.mulf %gather3A_375, %gather3A_375 : vector<16xf32>
        %add3A_378 = arith.addf %add3A_371, %mul3A_377 : vector<16xf32>
        %add3A_379 = arith.constant 10 : i32
        %add3A_380 = vector.broadcast %add3A_379 : i32 to vector<16xi32>
        %add3A_381 = arith.addi %add3A_27, %add3A_380 : vector<16xi32>
        %gather3A_382 = tpu.vector_load_idx %arg7[%add3A_381, %broadcast_in_dim3A_312] : memref<832x32xf32, #tpu.memory_space<vmem>>[vector<16xi32>, vector<16xi32>], vector<16xf32>,
        %add3A_383 = arith.addf %add3A_376, %gather3A_382 : vector<16xf32>
        %mul3A_384 = arith.mulf %gather3A_382, %gather3A_382 : vector<16xf32>
        %add3A_385 = arith.addf %add3A_378, %mul3A_384 : vector<16xf32>
        %add3A_386 = arith.constant 11 : i32
        %add3A_387 = vector.broadcast %add3A_386 : i32 to vector<16xi32>
        %add3A_388 = arith.addi %add3A_27, %add3A_387 : vector<16xi32>
        %gather3A_389 = tpu.vector_load_idx %arg7[%add3A_388, %broadcast_in_dim3A_312] : memref<832x32xf32, #tpu.memory_space<vmem>>[vector<16xi32>, vector<16xi32>], vector<16xf32>,
        %add3A_390 = arith.addf %add3A_383, %gather3A_389 : vector<16xf32>
        %mul3A_391 = arith.mulf %gather3A_389, %gather3A_389 : vector<16xf32>
        %add3A_392 = arith.addf %add3A_385, %mul3A_391 : vector<16xf32>
        %add3A_393 = arith.constant 12 : i32
        %add3A_394 = vector.broadcast %add3A_393 : i32 to vector<16xi32>
        %add3A_395 = arith.addi %add3A_27, %add3A_394 : vector<16xi32>
        %gather3A_396 = tpu.vector_load_idx %arg7[%add3A_395, %broadcast_in_dim3A_312] : memref<832x32xf32, #tpu.memory_space<vmem>>[vector<16xi32>, vector<16xi32>], vector<16xf32>,
        %add3A_397 = arith.addf %add3A_390, %gather3A_396 : vector<16xf32>
        %mul3A_398 = arith.mulf %gather3A_396, %gather3A_396 : vector<16xf32>
        %add3A_399 = arith.addf %add3A_392, %mul3A_398 : vector<16xf32>
        %add3A_400 = arith.constant 13 : i32
        %add3A_401 = vector.broadcast %add3A_400 : i32 to vector<16xi32>
        %add3A_402 = arith.addi %add3A_27, %add3A_401 : vector<16xi32>
        %gather3A_403 = tpu.vector_load_idx %arg7[%add3A_402, %broadcast_in_dim3A_312] : memref<832x32xf32, #tpu.memory_space<vmem>>[vector<16xi32>, vector<16xi32>], vector<16xf32>,
        %add3A_404 = arith.addf %add3A_397, %gather3A_403 : vector<16xf32>
        %mul3A_405 = arith.mulf %gather3A_403, %gather3A_403 : vector<16xf32>
        %add3A_406 = arith.addf %add3A_399, %mul3A_405 : vector<16xf32>
        %add3A_407 = arith.constant 14 : i32
        %add3A_408 = vector.broadcast %add3A_407 : i32 to vector<16xi32>
        %add3A_409 = arith.addi %add3A_27, %add3A_408 : vector<16xi32>
        %gather3A_410 = tpu.vector_load_idx %arg7[%add3A_409, %broadcast_in_dim3A_312] : memref<832x32xf32, #tpu.memory_space<vmem>>[vector<16xi32>, vector<16xi32>], vector<16xf32>,
        %add3A_411 = arith.addf %add3A_404, %gather3A_410 : vector<16xf32>
        %mul3A_412 = arith.mulf %gather3A_410, %gather3A_410 : vector<16xf32>
        %add3A_413 = arith.addf %add3A_406, %mul3A_412 : vector<16xf32>
        %add3A_414 = arith.constant 15 : i32
        %add3A_415 = vector.broadcast %add3A_414 : i32 to vector<16xi32>
        %add3A_416 = arith.addi %add3A_27, %add3A_415 : vector<16xi32>
        %gather3A_417 = tpu.vector_load_idx %arg7[%add3A_416, %broadcast_in_dim3A_312] : memref<832x32xf32, #tpu.memory_space<vmem>>[vector<16xi32>, vector<16xi32>], vector<16xf32>,
        %add3A_418 = arith.addf %add3A_411, %gather3A_417 : vector<16xf32>
        %mul3A_419 = arith.mulf %gather3A_417, %gather3A_417 : vector<16xf32>
        %add3A_420 = arith.addf %add3A_413, %mul3A_419 : vector<16xf32>
        %add3A_421 = arith.constant 16 : i32
        %add3A_422 = vector.broadcast %add3A_421 : i32 to vector<16xi32>
        %add3A_423 = arith.addi %add3A_27, %add3A_422 : vector<16xi32>
        %gather3A_424 = tpu.vector_load_idx %arg7[%add3A_423, %broadcast_in_dim3A_312] : memref<832x32xf32, #tpu.memory_space<vmem>>[vector<16xi32>, vector<16xi32>], vector<16xf32>,
        %add3A_425 = arith.addf %add3A_418, %gather3A_424 : vector<16xf32>
        %mul3A_426 = arith.mulf %gather3A_424, %gather3A_424 : vector<16xf32>
        %add3A_427 = arith.addf %add3A_420, %mul3A_426 : vector<16xf32>
        %add3A_428 = arith.constant 17 : i32
        %add3A_429 = vector.broadcast %add3A_428 : i32 to vector<16xi32>
        %add3A_430 = arith.addi %add3A_27, %add3A_429 : vector<16xi32>
        %gather3A_431 = tpu.vector_load_idx %arg7[%add3A_430, %broadcast_in_dim3A_312] : memref<832x32xf32, #tpu.memory_space<vmem>>[vector<16xi32>, vector<16xi32>], vector<16xf32>,
        %add3A_432 = arith.addf %add3A_425, %gather3A_431 : vector<16xf32>
        %mul3A_433 = arith.mulf %gather3A_431, %gather3A_431 : vector<16xf32>
        %add3A_434 = arith.addf %add3A_427, %mul3A_433 : vector<16xf32>
        %add3A_435 = arith.constant 18 : i32
        %add3A_436 = vector.broadcast %add3A_435 : i32 to vector<16xi32>
        %add3A_437 = arith.addi %add3A_27, %add3A_436 : vector<16xi32>
        %gather3A_438 = tpu.vector_load_idx %arg7[%add3A_437, %broadcast_in_dim3A_312] : memref<832x32xf32, #tpu.memory_space<vmem>>[vector<16xi32>, vector<16xi32>], vector<16xf32>,
        %add3A_439 = arith.addf %add3A_432, %gather3A_438 : vector<16xf32>
        %mul3A_440 = arith.mulf %gather3A_438, %gather3A_438 : vector<16xf32>
        %add3A_441 = arith.addf %add3A_434, %mul3A_440 : vector<16xf32>
        %add3A_442 = arith.constant 19 : i32
        %add3A_443 = vector.broadcast %add3A_442 : i32 to vector<16xi32>
        %add3A_444 = arith.addi %add3A_27, %add3A_443 : vector<16xi32>
        %gather3A_445 = tpu.vector_load_idx %arg7[%add3A_444, %broadcast_in_dim3A_312] : memref<832x32xf32, #tpu.memory_space<vmem>>[vector<16xi32>, vector<16xi32>], vector<16xf32>,
        %add3A_446 = arith.addf %add3A_439, %gather3A_445 : vector<16xf32>
        %mul3A_447 = arith.mulf %gather3A_445, %gather3A_445 : vector<16xf32>
        %add3A_448 = arith.addf %add3A_441, %mul3A_447 : vector<16xf32>
        %add3A_449 = arith.constant 20 : i32
        %add3A_450 = vector.broadcast %add3A_449 : i32 to vector<16xi32>
        %add3A_451 = arith.addi %add3A_27, %add3A_450 : vector<16xi32>
        %gather3A_452 = tpu.vector_load_idx %arg7[%add3A_451, %broadcast_in_dim3A_312] : memref<832x32xf32, #tpu.memory_space<vmem>>[vector<16xi32>, vector<16xi32>], vector<16xf32>,
        %add3A_453 = arith.addf %add3A_446, %gather3A_452 : vector<16xf32>
        %mul3A_454 = arith.mulf %gather3A_452, %gather3A_452 : vector<16xf32>
        %add3A_455 = arith.addf %add3A_448, %mul3A_454 : vector<16xf32>
        %add3A_456 = arith.constant 21 : i32
        %add3A_457 = vector.broadcast %add3A_456 : i32 to vector<16xi32>
        %add3A_458 = arith.addi %add3A_27, %add3A_457 : vector<16xi32>
        %gather3A_459 = tpu.vector_load_idx %arg7[%add3A_458, %broadcast_in_dim3A_312] : memref<832x32xf32, #tpu.memory_space<vmem>>[vector<16xi32>, vector<16xi32>], vector<16xf32>,
        %add3A_460 = arith.addf %add3A_453, %gather3A_459 : vector<16xf32>
        %mul3A_461 = arith.mulf %gather3A_459, %gather3A_459 : vector<16xf32>
        %add3A_462 = arith.addf %add3A_455, %mul3A_461 : vector<16xf32>
        %add3A_463 = arith.constant 22 : i32
        %add3A_464 = vector.broadcast %add3A_463 : i32 to vector<16xi32>
        %add3A_465 = arith.addi %add3A_27, %add3A_464 : vector<16xi32>
        %gather3A_466 = tpu.vector_load_idx %arg7[%add3A_465, %broadcast_in_dim3A_312] : memref<832x32xf32, #tpu.memory_space<vmem>>[vector<16xi32>, vector<16xi32>], vector<16xf32>,
        %add3A_467 = arith.addf %add3A_460, %gather3A_466 : vector<16xf32>
        %mul3A_468 = arith.mulf %gather3A_466, %gather3A_466 : vector<16xf32>
        %add3A_469 = arith.addf %add3A_462, %mul3A_468 : vector<16xf32>
        %add3A_470 = arith.constant 23 : i32
        %add3A_471 = vector.broadcast %add3A_470 : i32 to vector<16xi32>
        %add3A_472 = arith.addi %add3A_27, %add3A_471 : vector<16xi32>
        %gather3A_473 = tpu.vector_load_idx %arg7[%add3A_472, %broadcast_in_dim3A_312] : memref<832x32xf32, #tpu.memory_space<vmem>>[vector<16xi32>, vector<16xi32>], vector<16xf32>,
        %add3A_474 = arith.addf %add3A_467, %gather3A_473 : vector<16xf32>
        %mul3A_475 = arith.mulf %gather3A_473, %gather3A_473 : vector<16xf32>
        %add3A_476 = arith.addf %add3A_469, %mul3A_475 : vector<16xf32>
        %add3A_477 = arith.constant 24 : i32
        %add3A_478 = vector.broadcast %add3A_477 : i32 to vector<16xi32>
        %add3A_479 = arith.addi %add3A_27, %add3A_478 : vector<16xi32>
        %gather3A_480 = tpu.vector_load_idx %arg7[%add3A_479, %broadcast_in_dim3A_312] : memref<832x32xf32, #tpu.memory_space<vmem>>[vector<16xi32>, vector<16xi32>], vector<16xf32>,
        %add3A_481 = arith.addf %add3A_474, %gather3A_480 : vector<16xf32>
        %mul3A_482 = arith.mulf %gather3A_480, %gather3A_480 : vector<16xf32>
        %add3A_483 = arith.addf %add3A_476, %mul3A_482 : vector<16xf32>
        %add3A_484 = arith.constant 25 : i32
        %add3A_485 = vector.broadcast %add3A_484 : i32 to vector<16xi32>
        %add3A_486 = arith.addi %add3A_27, %add3A_485 : vector<16xi32>
        %gather3A_487 = tpu.vector_load_idx %arg7[%add3A_486, %broadcast_in_dim3A_312] : memref<832x32xf32, #tpu.memory_space<vmem>>[vector<16xi32>, vector<16xi32>], vector<16xf32>,
        %add3A_488 = arith.addf %add3A_481, %gather3A_487 : vector<16xf32>
        %mul3A_489 = arith.mulf %gather3A_487, %gather3A_487 : vector<16xf32>
        %add3A_490 = arith.addf %add3A_483, %mul3A_489 : vector<16xf32>
        %mul3A_491 = arith.mulf %add3A_488, %add3A_488 : vector<16xf32>
        %add3A_492 = arith.addf %scan3A_310, %mul3A_491 : vector<16xf32>
        scf.yield %add3A_492, %add3A_490 : vector<16xf32>, vector<16xf32>
      }
      %scan3A_159 = arith.constant 32 : i32
      %sub3A = arith.subf %scan3A_158#0, %scan3A_158#1 : vector<16xf32>
      %mul3A_160 = arith.constant 5.000000e-01 : f32
      %mul3A_161 = vector.broadcast %mul3A_160 : f32 to vector<16xf32>
      %mul3A_162 = arith.mulf %mul3A_161, %sub3A : vector<16xf32>
      %add3A_163 = arith.addf %mul3A_162, %add3A_152 : vector<16xf32>
      %swap3A = arith.constant 0 : index
      %swap3A_164 = tpu.vector_load %arg9[%swap3A] {strides = array<i32>} : memref<32xf32, #tpu.memory_space<vmem>>, vector<16xf32>,
      tpu.vector_store %arg9[%swap3A], %add3A_163 {strides = array<i32>} : memref<32xf32, #tpu.memory_space<vmem>>, vector<16xf32>,
      %add3A_165 = arith.constant 416 : i32
      %add3A_166 = vector.broadcast %add3A_165 : i32 to vector<16xi32>
      %add3A_167 = arith.addi %mul3A_3, %add3A_166 : vector<16xi32>
      %gather3A_168 = tpu.vector_load_idx %arg8[%add3A_167] : memref<832xf32, #tpu.memory_space<vmem>>[vector<16xi32>], vector<16xf32>,
      %add3A_169 = arith.constant 1 : i32
      %add3A_170 = vector.broadcast %add3A_169 : i32 to vector<16xi32>
      %add3A_171 = arith.addi %add3A_167, %add3A_170 : vector<16xi32>
      %gather3A_172 = tpu.vector_load_idx %arg8[%add3A_171] : memref<832xf32, #tpu.memory_space<vmem>>[vector<16xi32>], vector<16xf32>,
      %add3A_173 = arith.addf %gather3A_168, %gather3A_172 : vector<16xf32>
      %add3A_174 = arith.constant 2 : i32
      %add3A_175 = vector.broadcast %add3A_174 : i32 to vector<16xi32>
      %add3A_176 = arith.addi %add3A_167, %add3A_175 : vector<16xi32>
      %gather3A_177 = tpu.vector_load_idx %arg8[%add3A_176] : memref<832xf32, #tpu.memory_space<vmem>>[vector<16xi32>], vector<16xf32>,
      %add3A_178 = arith.addf %add3A_173, %gather3A_177 : vector<16xf32>
      %add3A_179 = arith.constant 3 : i32
      %add3A_180 = vector.broadcast %add3A_179 : i32 to vector<16xi32>
      %add3A_181 = arith.addi %add3A_167, %add3A_180 : vector<16xi32>
      %gather3A_182 = tpu.vector_load_idx %arg8[%add3A_181] : memref<832xf32, #tpu.memory_space<vmem>>[vector<16xi32>], vector<16xf32>,
      %add3A_183 = arith.addf %add3A_178, %gather3A_182 : vector<16xf32>
      %add3A_184 = arith.constant 4 : i32
      %add3A_185 = vector.broadcast %add3A_184 : i32 to vector<16xi32>
      %add3A_186 = arith.addi %add3A_167, %add3A_185 : vector<16xi32>
      %gather3A_187 = tpu.vector_load_idx %arg8[%add3A_186] : memref<832xf32, #tpu.memory_space<vmem>>[vector<16xi32>], vector<16xf32>,
      %add3A_188 = arith.addf %add3A_183, %gather3A_187 : vector<16xf32>
      %add3A_189 = arith.constant 5 : i32
      %add3A_190 = vector.broadcast %add3A_189 : i32 to vector<16xi32>
      %add3A_191 = arith.addi %add3A_167, %add3A_190 : vector<16xi32>
      %gather3A_192 = tpu.vector_load_idx %arg8[%add3A_191] : memref<832xf32, #tpu.memory_space<vmem>>[vector<16xi32>], vector<16xf32>,
      %add3A_193 = arith.addf %add3A_188, %gather3A_192 : vector<16xf32>
      %add3A_194 = arith.constant 6 : i32
      %add3A_195 = vector.broadcast %add3A_194 : i32 to vector<16xi32>
      %add3A_196 = arith.addi %add3A_167, %add3A_195 : vector<16xi32>
      %gather3A_197 = tpu.vector_load_idx %arg8[%add3A_196] : memref<832xf32, #tpu.memory_space<vmem>>[vector<16xi32>], vector<16xf32>,
      %add3A_198 = arith.addf %add3A_193, %gather3A_197 : vector<16xf32>
      %add3A_199 = arith.constant 7 : i32
      %add3A_200 = vector.broadcast %add3A_199 : i32 to vector<16xi32>
      %add3A_201 = arith.addi %add3A_167, %add3A_200 : vector<16xi32>
      %gather3A_202 = tpu.vector_load_idx %arg8[%add3A_201] : memref<832xf32, #tpu.memory_space<vmem>>[vector<16xi32>], vector<16xf32>,
      %add3A_203 = arith.addf %add3A_198, %gather3A_202 : vector<16xf32>
      %add3A_204 = arith.constant 8 : i32
      %add3A_205 = vector.broadcast %add3A_204 : i32 to vector<16xi32>
      %add3A_206 = arith.addi %add3A_167, %add3A_205 : vector<16xi32>
      %gather3A_207 = tpu.vector_load_idx %arg8[%add3A_206] : memref<832xf32, #tpu.memory_space<vmem>>[vector<16xi32>], vector<16xf32>,
      %add3A_208 = arith.addf %add3A_203, %gather3A_207 : vector<16xf32>
      %add3A_209 = arith.constant 9 : i32
      %add3A_210 = vector.broadcast %add3A_209 : i32 to vector<16xi32>
      %add3A_211 = arith.addi %add3A_167, %add3A_210 : vector<16xi32>
      %gather3A_212 = tpu.vector_load_idx %arg8[%add3A_211] : memref<832xf32, #tpu.memory_space<vmem>>[vector<16xi32>], vector<16xf32>,
      %add3A_213 = arith.addf %add3A_208, %gather3A_212 : vector<16xf32>
      %add3A_214 = arith.constant 10 : i32
      %add3A_215 = vector.broadcast %add3A_214 : i32 to vector<16xi32>
      %add3A_216 = arith.addi %add3A_167, %add3A_215 : vector<16xi32>
      %gather3A_217 = tpu.vector_load_idx %arg8[%add3A_216] : memref<832xf32, #tpu.memory_space<vmem>>[vector<16xi32>], vector<16xf32>,
      %add3A_218 = arith.addf %add3A_213, %gather3A_217 : vector<16xf32>
      %add3A_219 = arith.constant 11 : i32
      %add3A_220 = vector.broadcast %add3A_219 : i32 to vector<16xi32>
      %add3A_221 = arith.addi %add3A_167, %add3A_220 : vector<16xi32>
      %gather3A_222 = tpu.vector_load_idx %arg8[%add3A_221] : memref<832xf32, #tpu.memory_space<vmem>>[vector<16xi32>], vector<16xf32>,
      %add3A_223 = arith.addf %add3A_218, %gather3A_222 : vector<16xf32>
      %add3A_224 = arith.constant 12 : i32
      %add3A_225 = vector.broadcast %add3A_224 : i32 to vector<16xi32>
      %add3A_226 = arith.addi %add3A_167, %add3A_225 : vector<16xi32>
      %gather3A_227 = tpu.vector_load_idx %arg8[%add3A_226] : memref<832xf32, #tpu.memory_space<vmem>>[vector<16xi32>], vector<16xf32>,
      %add3A_228 = arith.addf %add3A_223, %gather3A_227 : vector<16xf32>
      %add3A_229 = arith.constant 13 : i32
      %add3A_230 = vector.broadcast %add3A_229 : i32 to vector<16xi32>
      %add3A_231 = arith.addi %add3A_167, %add3A_230 : vector<16xi32>
      %gather3A_232 = tpu.vector_load_idx %arg8[%add3A_231] : memref<832xf32, #tpu.memory_space<vmem>>[vector<16xi32>], vector<16xf32>,
      %add3A_233 = arith.addf %add3A_228, %gather3A_232 : vector<16xf32>
      %add3A_234 = arith.constant 14 : i32
      %add3A_235 = vector.broadcast %add3A_234 : i32 to vector<16xi32>
      %add3A_236 = arith.addi %add3A_167, %add3A_235 : vector<16xi32>
      %gather3A_237 = tpu.vector_load_idx %arg8[%add3A_236] : memref<832xf32, #tpu.memory_space<vmem>>[vector<16xi32>], vector<16xf32>,
      %add3A_238 = arith.addf %add3A_233, %gather3A_237 : vector<16xf32>
      %add3A_239 = arith.constant 15 : i32
      %add3A_240 = vector.broadcast %add3A_239 : i32 to vector<16xi32>
      %add3A_241 = arith.addi %add3A_167, %add3A_240 : vector<16xi32>
      %gather3A_242 = tpu.vector_load_idx %arg8[%add3A_241] : memref<832xf32, #tpu.memory_space<vmem>>[vector<16xi32>], vector<16xf32>,
      %add3A_243 = arith.addf %add3A_238, %gather3A_242 : vector<16xf32>
      %add3A_244 = arith.constant 16 : i32
      %add3A_245 = vector.broadcast %add3A_244 : i32 to vector<16xi32>
      %add3A_246 = arith.addi %add3A_167, %add3A_245 : vector<16xi32>
      %gather3A_247 = tpu.vector_load_idx %arg8[%add3A_246] : memref<832xf32, #tpu.memory_space<vmem>>[vector<16xi32>], vector<16xf32>,
      %add3A_248 = arith.addf %add3A_243, %gather3A_247 : vector<16xf32>
      %add3A_249 = arith.constant 17 : i32
      %add3A_250 = vector.broadcast %add3A_249 : i32 to vector<16xi32>
      %add3A_251 = arith.addi %add3A_167, %add3A_250 : vector<16xi32>
      %gather3A_252 = tpu.vector_load_idx %arg8[%add3A_251] : memref<832xf32, #tpu.memory_space<vmem>>[vector<16xi32>], vector<16xf32>,
      %add3A_253 = arith.addf %add3A_248, %gather3A_252 : vector<16xf32>
      %add3A_254 = arith.constant 18 : i32
      %add3A_255 = vector.broadcast %add3A_254 : i32 to vector<16xi32>
      %add3A_256 = arith.addi %add3A_167, %add3A_255 : vector<16xi32>
      %gather3A_257 = tpu.vector_load_idx %arg8[%add3A_256] : memref<832xf32, #tpu.memory_space<vmem>>[vector<16xi32>], vector<16xf32>,
      %add3A_258 = arith.addf %add3A_253, %gather3A_257 : vector<16xf32>
      %add3A_259 = arith.constant 19 : i32
      %add3A_260 = vector.broadcast %add3A_259 : i32 to vector<16xi32>
      %add3A_261 = arith.addi %add3A_167, %add3A_260 : vector<16xi32>
      %gather3A_262 = tpu.vector_load_idx %arg8[%add3A_261] : memref<832xf32, #tpu.memory_space<vmem>>[vector<16xi32>], vector<16xf32>,
      %add3A_263 = arith.addf %add3A_258, %gather3A_262 : vector<16xf32>
      %add3A_264 = arith.constant 20 : i32
      %add3A_265 = vector.broadcast %add3A_264 : i32 to vector<16xi32>
      %add3A_266 = arith.addi %add3A_167, %add3A_265 : vector<16xi32>
      %gather3A_267 = tpu.vector_load_idx %arg8[%add3A_266] : memref<832xf32, #tpu.memory_space<vmem>>[vector<16xi32>], vector<16xf32>,
      %add3A_268 = arith.addf %add3A_263, %gather3A_267 : vector<16xf32>
      %add3A_269 = arith.constant 21 : i32
      %add3A_270 = vector.broadcast %add3A_269 : i32 to vector<16xi32>
      %add3A_271 = arith.addi %add3A_167, %add3A_270 : vector<16xi32>
      %gather3A_272 = tpu.vector_load_idx %arg8[%add3A_271] : memref<832xf32, #tpu.memory_space<vmem>>[vector<16xi32>], vector<16xf32>,
      %add3A_273 = arith.addf %add3A_268, %gather3A_272 : vector<16xf32>
      %add3A_274 = arith.constant 22 : i32
      %add3A_275 = vector.broadcast %add3A_274 : i32 to vector<16xi32>
      %add3A_276 = arith.addi %add3A_167, %add3A_275 : vector<16xi32>
      %gather3A_277 = tpu.vector_load_idx %arg8[%add3A_276] : memref<832xf32, #tpu.memory_space<vmem>>[vector<16xi32>], vector<16xf32>,
      %add3A_278 = arith.addf %add3A_273, %gather3A_277 : vector<16xf32>
      %add3A_279 = arith.constant 23 : i32
      %add3A_280 = vector.broadcast %add3A_279 : i32 to vector<16xi32>
      %add3A_281 = arith.addi %add3A_167, %add3A_280 : vector<16xi32>
      %gather3A_282 = tpu.vector_load_idx %arg8[%add3A_281] : memref<832xf32, #tpu.memory_space<vmem>>[vector<16xi32>], vector<16xf32>,
      %add3A_283 = arith.addf %add3A_278, %gather3A_282 : vector<16xf32>
      %add3A_284 = arith.constant 24 : i32
      %add3A_285 = vector.broadcast %add3A_284 : i32 to vector<16xi32>
      %add3A_286 = arith.addi %add3A_167, %add3A_285 : vector<16xi32>
      %gather3A_287 = tpu.vector_load_idx %arg8[%add3A_286] : memref<832xf32, #tpu.memory_space<vmem>>[vector<16xi32>], vector<16xf32>,
      %add3A_288 = arith.addf %add3A_283, %gather3A_287 : vector<16xf32>
      %add3A_289 = arith.constant 25 : i32
      %add3A_290 = vector.broadcast %add3A_289 : i32 to vector<16xi32>
      %add3A_291 = arith.addi %add3A_167, %add3A_290 : vector<16xi32>
      %gather3A_292 = tpu.vector_load_idx %arg8[%add3A_291] : memref<832xf32, #tpu.memory_space<vmem>>[vector<16xi32>], vector<16xf32>,
      %add3A_293 = arith.addf %add3A_288, %gather3A_292 : vector<16xf32>
      %broadcast_in_dim3A_294 = arith.constant 0.000000e+00 : f32
      %broadcast_in_dim3A_295 = vector.broadcast %broadcast_in_dim3A_294 : f32 to vector<16xf32>
      %scan3A_296 = arith.constant 0 : i32
      %scan3A_297 = arith.constant 32 : i32
      %scan3A_298 = arith.addi %scan3A_296, %scan3A_297 : i32
      %scan3A_299 = arith.constant 1 : i32
      %scan3A_300:2 = scf.for %scan3A_309 = %scan3A_296 to %scan3A_298 step %scan3A_299 iter_args(%scan3A_310 = %broadcast_in_dim3A_295, %scan3A_311 = %broadcast_in_dim3A_295) -> (vector<16xf32>, vector<16xf32>)  : i32 {
        %broadcast_in_dim3A_312 = vector.broadcast %scan3A_309 : i32 to vector<16xi32>
        %gather3A_313 = tpu.vector_load_idx %arg7[%add3A_167, %broadcast_in_dim3A_312] : memref<832x32xf32, #tpu.memory_space<vmem>>[vector<16xi32>, vector<16xi32>], vector<16xf32>,
        %mul3A_314 = arith.mulf %gather3A_313, %gather3A_313 : vector<16xf32>
        %add3A_315 = arith.addf %scan3A_311, %mul3A_314 : vector<16xf32>
        %add3A_316 = arith.constant 1 : i32
        %add3A_317 = vector.broadcast %add3A_316 : i32 to vector<16xi32>
        %add3A_318 = arith.addi %add3A_167, %add3A_317 : vector<16xi32>
        %gather3A_319 = tpu.vector_load_idx %arg7[%add3A_318, %broadcast_in_dim3A_312] : memref<832x32xf32, #tpu.memory_space<vmem>>[vector<16xi32>, vector<16xi32>], vector<16xf32>,
        %add3A_320 = arith.addf %gather3A_313, %gather3A_319 : vector<16xf32>
        %mul3A_321 = arith.mulf %gather3A_319, %gather3A_319 : vector<16xf32>
        %add3A_322 = arith.addf %add3A_315, %mul3A_321 : vector<16xf32>
        %add3A_323 = arith.constant 2 : i32
        %add3A_324 = vector.broadcast %add3A_323 : i32 to vector<16xi32>
        %add3A_325 = arith.addi %add3A_167, %add3A_324 : vector<16xi32>
        %gather3A_326 = tpu.vector_load_idx %arg7[%add3A_325, %broadcast_in_dim3A_312] : memref<832x32xf32, #tpu.memory_space<vmem>>[vector<16xi32>, vector<16xi32>], vector<16xf32>,
        %add3A_327 = arith.addf %add3A_320, %gather3A_326 : vector<16xf32>
        %mul3A_328 = arith.mulf %gather3A_326, %gather3A_326 : vector<16xf32>
        %add3A_329 = arith.addf %add3A_322, %mul3A_328 : vector<16xf32>
        %add3A_330 = arith.constant 3 : i32
        %add3A_331 = vector.broadcast %add3A_330 : i32 to vector<16xi32>
        %add3A_332 = arith.addi %add3A_167, %add3A_331 : vector<16xi32>
        %gather3A_333 = tpu.vector_load_idx %arg7[%add3A_332, %broadcast_in_dim3A_312] : memref<832x32xf32, #tpu.memory_space<vmem>>[vector<16xi32>, vector<16xi32>], vector<16xf32>,
        %add3A_334 = arith.addf %add3A_327, %gather3A_333 : vector<16xf32>
        %mul3A_335 = arith.mulf %gather3A_333, %gather3A_333 : vector<16xf32>
        %add3A_336 = arith.addf %add3A_329, %mul3A_335 : vector<16xf32>
        %add3A_337 = arith.constant 4 : i32
        %add3A_338 = vector.broadcast %add3A_337 : i32 to vector<16xi32>
        %add3A_339 = arith.addi %add3A_167, %add3A_338 : vector<16xi32>
        %gather3A_340 = tpu.vector_load_idx %arg7[%add3A_339, %broadcast_in_dim3A_312] : memref<832x32xf32, #tpu.memory_space<vmem>>[vector<16xi32>, vector<16xi32>], vector<16xf32>,
        %add3A_341 = arith.addf %add3A_334, %gather3A_340 : vector<16xf32>
        %mul3A_342 = arith.mulf %gather3A_340, %gather3A_340 : vector<16xf32>
        %add3A_343 = arith.addf %add3A_336, %mul3A_342 : vector<16xf32>
        %add3A_344 = arith.constant 5 : i32
        %add3A_345 = vector.broadcast %add3A_344 : i32 to vector<16xi32>
        %add3A_346 = arith.addi %add3A_167, %add3A_345 : vector<16xi32>
        %gather3A_347 = tpu.vector_load_idx %arg7[%add3A_346, %broadcast_in_dim3A_312] : memref<832x32xf32, #tpu.memory_space<vmem>>[vector<16xi32>, vector<16xi32>], vector<16xf32>,
        %add3A_348 = arith.addf %add3A_341, %gather3A_347 : vector<16xf32>
        %mul3A_349 = arith.mulf %gather3A_347, %gather3A_347 : vector<16xf32>
        %add3A_350 = arith.addf %add3A_343, %mul3A_349 : vector<16xf32>
        %add3A_351 = arith.constant 6 : i32
        %add3A_352 = vector.broadcast %add3A_351 : i32 to vector<16xi32>
        %add3A_353 = arith.addi %add3A_167, %add3A_352 : vector<16xi32>
        %gather3A_354 = tpu.vector_load_idx %arg7[%add3A_353, %broadcast_in_dim3A_312] : memref<832x32xf32, #tpu.memory_space<vmem>>[vector<16xi32>, vector<16xi32>], vector<16xf32>,
        %add3A_355 = arith.addf %add3A_348, %gather3A_354 : vector<16xf32>
        %mul3A_356 = arith.mulf %gather3A_354, %gather3A_354 : vector<16xf32>
        %add3A_357 = arith.addf %add3A_350, %mul3A_356 : vector<16xf32>
        %add3A_358 = arith.constant 7 : i32
        %add3A_359 = vector.broadcast %add3A_358 : i32 to vector<16xi32>
        %add3A_360 = arith.addi %add3A_167, %add3A_359 : vector<16xi32>
        %gather3A_361 = tpu.vector_load_idx %arg7[%add3A_360, %broadcast_in_dim3A_312] : memref<832x32xf32, #tpu.memory_space<vmem>>[vector<16xi32>, vector<16xi32>], vector<16xf32>,
        %add3A_362 = arith.addf %add3A_355, %gather3A_361 : vector<16xf32>
        %mul3A_363 = arith.mulf %gather3A_361, %gather3A_361 : vector<16xf32>
        %add3A_364 = arith.addf %add3A_357, %mul3A_363 : vector<16xf32>
        %add3A_365 = arith.constant 8 : i32
        %add3A_366 = vector.broadcast %add3A_365 : i32 to vector<16xi32>
        %add3A_367 = arith.addi %add3A_167, %add3A_366 : vector<16xi32>
        %gather3A_368 = tpu.vector_load_idx %arg7[%add3A_367, %broadcast_in_dim3A_312] : memref<832x32xf32, #tpu.memory_space<vmem>>[vector<16xi32>, vector<16xi32>], vector<16xf32>,
        %add3A_369 = arith.addf %add3A_362, %gather3A_368 : vector<16xf32>
        %mul3A_370 = arith.mulf %gather3A_368, %gather3A_368 : vector<16xf32>
        %add3A_371 = arith.addf %add3A_364, %mul3A_370 : vector<16xf32>
        %add3A_372 = arith.constant 9 : i32
        %add3A_373 = vector.broadcast %add3A_372 : i32 to vector<16xi32>
        %add3A_374 = arith.addi %add3A_167, %add3A_373 : vector<16xi32>
        %gather3A_375 = tpu.vector_load_idx %arg7[%add3A_374, %broadcast_in_dim3A_312] : memref<832x32xf32, #tpu.memory_space<vmem>>[vector<16xi32>, vector<16xi32>], vector<16xf32>,
        %add3A_376 = arith.addf %add3A_369, %gather3A_375 : vector<16xf32>
        %mul3A_377 = arith.mulf %gather3A_375, %gather3A_375 : vector<16xf32>
        %add3A_378 = arith.addf %add3A_371, %mul3A_377 : vector<16xf32>
        %add3A_379 = arith.constant 10 : i32
        %add3A_380 = vector.broadcast %add3A_379 : i32 to vector<16xi32>
        %add3A_381 = arith.addi %add3A_167, %add3A_380 : vector<16xi32>
        %gather3A_382 = tpu.vector_load_idx %arg7[%add3A_381, %broadcast_in_dim3A_312] : memref<832x32xf32, #tpu.memory_space<vmem>>[vector<16xi32>, vector<16xi32>], vector<16xf32>,
        %add3A_383 = arith.addf %add3A_376, %gather3A_382 : vector<16xf32>
        %mul3A_384 = arith.mulf %gather3A_382, %gather3A_382 : vector<16xf32>
        %add3A_385 = arith.addf %add3A_378, %mul3A_384 : vector<16xf32>
        %add3A_386 = arith.constant 11 : i32
        %add3A_387 = vector.broadcast %add3A_386 : i32 to vector<16xi32>
        %add3A_388 = arith.addi %add3A_167, %add3A_387 : vector<16xi32>
        %gather3A_389 = tpu.vector_load_idx %arg7[%add3A_388, %broadcast_in_dim3A_312] : memref<832x32xf32, #tpu.memory_space<vmem>>[vector<16xi32>, vector<16xi32>], vector<16xf32>,
        %add3A_390 = arith.addf %add3A_383, %gather3A_389 : vector<16xf32>
        %mul3A_391 = arith.mulf %gather3A_389, %gather3A_389 : vector<16xf32>
        %add3A_392 = arith.addf %add3A_385, %mul3A_391 : vector<16xf32>
        %add3A_393 = arith.constant 12 : i32
        %add3A_394 = vector.broadcast %add3A_393 : i32 to vector<16xi32>
        %add3A_395 = arith.addi %add3A_167, %add3A_394 : vector<16xi32>
        %gather3A_396 = tpu.vector_load_idx %arg7[%add3A_395, %broadcast_in_dim3A_312] : memref<832x32xf32, #tpu.memory_space<vmem>>[vector<16xi32>, vector<16xi32>], vector<16xf32>,
        %add3A_397 = arith.addf %add3A_390, %gather3A_396 : vector<16xf32>
        %mul3A_398 = arith.mulf %gather3A_396, %gather3A_396 : vector<16xf32>
        %add3A_399 = arith.addf %add3A_392, %mul3A_398 : vector<16xf32>
        %add3A_400 = arith.constant 13 : i32
        %add3A_401 = vector.broadcast %add3A_400 : i32 to vector<16xi32>
        %add3A_402 = arith.addi %add3A_167, %add3A_401 : vector<16xi32>
        %gather3A_403 = tpu.vector_load_idx %arg7[%add3A_402, %broadcast_in_dim3A_312] : memref<832x32xf32, #tpu.memory_space<vmem>>[vector<16xi32>, vector<16xi32>], vector<16xf32>,
        %add3A_404 = arith.addf %add3A_397, %gather3A_403 : vector<16xf32>
        %mul3A_405 = arith.mulf %gather3A_403, %gather3A_403 : vector<16xf32>
        %add3A_406 = arith.addf %add3A_399, %mul3A_405 : vector<16xf32>
        %add3A_407 = arith.constant 14 : i32
        %add3A_408 = vector.broadcast %add3A_407 : i32 to vector<16xi32>
        %add3A_409 = arith.addi %add3A_167, %add3A_408 : vector<16xi32>
        %gather3A_410 = tpu.vector_load_idx %arg7[%add3A_409, %broadcast_in_dim3A_312] : memref<832x32xf32, #tpu.memory_space<vmem>>[vector<16xi32>, vector<16xi32>], vector<16xf32>,
        %add3A_411 = arith.addf %add3A_404, %gather3A_410 : vector<16xf32>
        %mul3A_412 = arith.mulf %gather3A_410, %gather3A_410 : vector<16xf32>
        %add3A_413 = arith.addf %add3A_406, %mul3A_412 : vector<16xf32>
        %add3A_414 = arith.constant 15 : i32
        %add3A_415 = vector.broadcast %add3A_414 : i32 to vector<16xi32>
        %add3A_416 = arith.addi %add3A_167, %add3A_415 : vector<16xi32>
        %gather3A_417 = tpu.vector_load_idx %arg7[%add3A_416, %broadcast_in_dim3A_312] : memref<832x32xf32, #tpu.memory_space<vmem>>[vector<16xi32>, vector<16xi32>], vector<16xf32>,
        %add3A_418 = arith.addf %add3A_411, %gather3A_417 : vector<16xf32>
        %mul3A_419 = arith.mulf %gather3A_417, %gather3A_417 : vector<16xf32>
        %add3A_420 = arith.addf %add3A_413, %mul3A_419 : vector<16xf32>
        %add3A_421 = arith.constant 16 : i32
        %add3A_422 = vector.broadcast %add3A_421 : i32 to vector<16xi32>
        %add3A_423 = arith.addi %add3A_167, %add3A_422 : vector<16xi32>
        %gather3A_424 = tpu.vector_load_idx %arg7[%add3A_423, %broadcast_in_dim3A_312] : memref<832x32xf32, #tpu.memory_space<vmem>>[vector<16xi32>, vector<16xi32>], vector<16xf32>,
        %add3A_425 = arith.addf %add3A_418, %gather3A_424 : vector<16xf32>
        %mul3A_426 = arith.mulf %gather3A_424, %gather3A_424 : vector<16xf32>
        %add3A_427 = arith.addf %add3A_420, %mul3A_426 : vector<16xf32>
        %add3A_428 = arith.constant 17 : i32
        %add3A_429 = vector.broadcast %add3A_428 : i32 to vector<16xi32>
        %add3A_430 = arith.addi %add3A_167, %add3A_429 : vector<16xi32>
        %gather3A_431 = tpu.vector_load_idx %arg7[%add3A_430, %broadcast_in_dim3A_312] : memref<832x32xf32, #tpu.memory_space<vmem>>[vector<16xi32>, vector<16xi32>], vector<16xf32>,
        %add3A_432 = arith.addf %add3A_425, %gather3A_431 : vector<16xf32>
        %mul3A_433 = arith.mulf %gather3A_431, %gather3A_431 : vector<16xf32>
        %add3A_434 = arith.addf %add3A_427, %mul3A_433 : vector<16xf32>
        %add3A_435 = arith.constant 18 : i32
        %add3A_436 = vector.broadcast %add3A_435 : i32 to vector<16xi32>
        %add3A_437 = arith.addi %add3A_167, %add3A_436 : vector<16xi32>
        %gather3A_438 = tpu.vector_load_idx %arg7[%add3A_437, %broadcast_in_dim3A_312] : memref<832x32xf32, #tpu.memory_space<vmem>>[vector<16xi32>, vector<16xi32>], vector<16xf32>,
        %add3A_439 = arith.addf %add3A_432, %gather3A_438 : vector<16xf32>
        %mul3A_440 = arith.mulf %gather3A_438, %gather3A_438 : vector<16xf32>
        %add3A_441 = arith.addf %add3A_434, %mul3A_440 : vector<16xf32>
        %add3A_442 = arith.constant 19 : i32
        %add3A_443 = vector.broadcast %add3A_442 : i32 to vector<16xi32>
        %add3A_444 = arith.addi %add3A_167, %add3A_443 : vector<16xi32>
        %gather3A_445 = tpu.vector_load_idx %arg7[%add3A_444, %broadcast_in_dim3A_312] : memref<832x32xf32, #tpu.memory_space<vmem>>[vector<16xi32>, vector<16xi32>], vector<16xf32>,
        %add3A_446 = arith.addf %add3A_439, %gather3A_445 : vector<16xf32>
        %mul3A_447 = arith.mulf %gather3A_445, %gather3A_445 : vector<16xf32>
        %add3A_448 = arith.addf %add3A_441, %mul3A_447 : vector<16xf32>
        %add3A_449 = arith.constant 20 : i32
        %add3A_450 = vector.broadcast %add3A_449 : i32 to vector<16xi32>
        %add3A_451 = arith.addi %add3A_167, %add3A_450 : vector<16xi32>
        %gather3A_452 = tpu.vector_load_idx %arg7[%add3A_451, %broadcast_in_dim3A_312] : memref<832x32xf32, #tpu.memory_space<vmem>>[vector<16xi32>, vector<16xi32>], vector<16xf32>,
        %add3A_453 = arith.addf %add3A_446, %gather3A_452 : vector<16xf32>
        %mul3A_454 = arith.mulf %gather3A_452, %gather3A_452 : vector<16xf32>
        %add3A_455 = arith.addf %add3A_448, %mul3A_454 : vector<16xf32>
        %add3A_456 = arith.constant 21 : i32
        %add3A_457 = vector.broadcast %add3A_456 : i32 to vector<16xi32>
        %add3A_458 = arith.addi %add3A_167, %add3A_457 : vector<16xi32>
        %gather3A_459 = tpu.vector_load_idx %arg7[%add3A_458, %broadcast_in_dim3A_312] : memref<832x32xf32, #tpu.memory_space<vmem>>[vector<16xi32>, vector<16xi32>], vector<16xf32>,
        %add3A_460 = arith.addf %add3A_453, %gather3A_459 : vector<16xf32>
        %mul3A_461 = arith.mulf %gather3A_459, %gather3A_459 : vector<16xf32>
        %add3A_462 = arith.addf %add3A_455, %mul3A_461 : vector<16xf32>
        %add3A_463 = arith.constant 22 : i32
        %add3A_464 = vector.broadcast %add3A_463 : i32 to vector<16xi32>
        %add3A_465 = arith.addi %add3A_167, %add3A_464 : vector<16xi32>
        %gather3A_466 = tpu.vector_load_idx %arg7[%add3A_465, %broadcast_in_dim3A_312] : memref<832x32xf32, #tpu.memory_space<vmem>>[vector<16xi32>, vector<16xi32>], vector<16xf32>,
        %add3A_467 = arith.addf %add3A_460, %gather3A_466 : vector<16xf32>
        %mul3A_468 = arith.mulf %gather3A_466, %gather3A_466 : vector<16xf32>
        %add3A_469 = arith.addf %add3A_462, %mul3A_468 : vector<16xf32>
        %add3A_470 = arith.constant 23 : i32
        %add3A_471 = vector.broadcast %add3A_470 : i32 to vector<16xi32>
        %add3A_472 = arith.addi %add3A_167, %add3A_471 : vector<16xi32>
        %gather3A_473 = tpu.vector_load_idx %arg7[%add3A_472, %broadcast_in_dim3A_312] : memref<832x32xf32, #tpu.memory_space<vmem>>[vector<16xi32>, vector<16xi32>], vector<16xf32>,
        %add3A_474 = arith.addf %add3A_467, %gather3A_473 : vector<16xf32>
        %mul3A_475 = arith.mulf %gather3A_473, %gather3A_473 : vector<16xf32>
        %add3A_476 = arith.addf %add3A_469, %mul3A_475 : vector<16xf32>
        %add3A_477 = arith.constant 24 : i32
        %add3A_478 = vector.broadcast %add3A_477 : i32 to vector<16xi32>
        %add3A_479 = arith.addi %add3A_167, %add3A_478 : vector<16xi32>
        %gather3A_480 = tpu.vector_load_idx %arg7[%add3A_479, %broadcast_in_dim3A_312] : memref<832x32xf32, #tpu.memory_space<vmem>>[vector<16xi32>, vector<16xi32>], vector<16xf32>,
        %add3A_481 = arith.addf %add3A_474, %gather3A_480 : vector<16xf32>
        %mul3A_482 = arith.mulf %gather3A_480, %gather3A_480 : vector<16xf32>
        %add3A_483 = arith.addf %add3A_476, %mul3A_482 : vector<16xf32>
        %add3A_484 = arith.constant 25 : i32
        %add3A_485 = vector.broadcast %add3A_484 : i32 to vector<16xi32>
        %add3A_486 = arith.addi %add3A_167, %add3A_485 : vector<16xi32>
        %gather3A_487 = tpu.vector_load_idx %arg7[%add3A_486, %broadcast_in_dim3A_312] : memref<832x32xf32, #tpu.memory_space<vmem>>[vector<16xi32>, vector<16xi32>], vector<16xf32>,
        %add3A_488 = arith.addf %add3A_481, %gather3A_487 : vector<16xf32>
        %mul3A_489 = arith.mulf %gather3A_487, %gather3A_487 : vector<16xf32>
        %add3A_490 = arith.addf %add3A_483, %mul3A_489 : vector<16xf32>
        %mul3A_491 = arith.mulf %add3A_488, %add3A_488 : vector<16xf32>
        %add3A_492 = arith.addf %scan3A_310, %mul3A_491 : vector<16xf32>
        scf.yield %add3A_492, %add3A_490 : vector<16xf32>, vector<16xf32>
      }
      %scan3A_301 = arith.constant 32 : i32
      %sub3A_302 = arith.subf %scan3A_300#0, %scan3A_300#1 : vector<16xf32>
      %mul3A_303 = arith.constant 5.000000e-01 : f32
      %mul3A_304 = vector.broadcast %mul3A_303 : f32 to vector<16xf32>
      %mul3A_305 = arith.mulf %mul3A_304, %sub3A_302 : vector<16xf32>
      %add3A_306 = arith.addf %mul3A_305, %add3A_293 : vector<16xf32>
      %swap3A_307 = arith.constant 16 : index
      %swap3A_308 = tpu.vector_load %arg9[%swap3A_307] {strides = array<i32>} : memref<32xf32, #tpu.memory_space<vmem>>, vector<16xf32>,
      tpu.vector_store %arg9[%swap3A_307], %add3A_306 {strides = array<i32>} : memref<32xf32, #tpu.memory_space<vmem>>, vector<16xf32>,
      "tpu.region"() ({
        %run_scoped3A = tpu.sem_alloc : memref<!tpu.dma_semaphore, #tpu.memory_space<semaphore_mem>>
        %dma_start3A_309 = tpu.memref_slice %arg5[%add3A_14] : memref<16384xf32, #tpu.memory_space<hbm>> -> memref<32xf32, #tpu.memory_space<hbm>>
        %dma_start3A_310 = tpu.memref_slice %arg5[%add3A_14] : memref<16384xf32, #tpu.memory_space<hbm>> -> memref<32xf32, #tpu.memory_space<hbm>>
        tpu.enqueue_dma source(%arg9 : memref<32xf32, #tpu.memory_space<vmem>>) target(%dma_start3A_310 : memref<32xf32, #tpu.memory_space<hbm>>) target_semaphore(%run_scoped3A : memref<!tpu.dma_semaphore, #tpu.memory_space<semaphore_mem>>)
        %dma_wait3A_311 = tpu.memref_slice %arg5[%add3A_14] : memref<16384xf32, #tpu.memory_space<hbm>> -> memref<32xf32, #tpu.memory_space<hbm>>
        %dma_wait3A_312 = tpu.memref_slice %arg5[%add3A_14] : memref<16384xf32, #tpu.memory_space<hbm>> -> memref<32xf32, #tpu.memory_space<hbm>>
        tpu.wait_dma2 semaphore(%run_scoped3A : memref<!tpu.dma_semaphore, #tpu.memory_space<semaphore_mem>>) src(%arg9 : memref<32xf32, #tpu.memory_space<vmem>>) dst(%dma_wait3A_312 : memref<32xf32, #tpu.memory_space<hbm>>)
        tpu.yield
      }) : () -> ()
    }
    %scan3A_8 = arith.constant 16 : i32
    return
  }
}

</mosaic_0001>

<sc_bundles>
// kernel: kernel.3.cloned.1.call-start
scs
__scs_entry_jumppad:
0x0: {  	(pc) =	sbr.rel $0x88, $3  }
0x1: {  	(tag) =	ssettag $0x0;
	lr =	simm.s32 $0x1  }
0x2: {  	[smem:$0x3F9D] =	sst lr;
	_ =	strace $0xD0000000  }
0x3: {  	_ = 	snop  }
0x4: {  	_ = 	snop  }
0x5: {  	_ = 	snop  }
0x6: {  	_ = 	snop  }
0x7: {  	_ = 	snop  }
__scs_overlays_trampoline_lowered:
0x8: {  	[smem:$0x3FAC] =	sst s0  }
0x9: {  	[smem:$0x3FAD] =	sst s1  }
0xa: {  	[smem:$0x3FAE] =	sst s2  }
0xb: {  	[smem:$0x3FAF] =	sst s3  }
0xc: {  	[smem:$0x3FB0] =	sst s4  }
0xd: {  	[smem:$0x3FB1] =	sst s5  }
0xe: {  	[smem:$0x3FB2] =	sst s6  }
0xf: {  	[smem:$0x3FB3] =	sst s7  }
0x10: {  	[smem:$0x3FB4] =	sst s8  }
0x11: {  	[smem:$0x3FB5] =	sst s9;
	s0 =	simm.s32 @!p0 $0x0  }
0x12: {  	s1 =	sld [smem:$0x3F9B];
	s0 =	simm.s32 @p0 $0x1  }
0x13: {  	[smem:$0x3FB6] =	sst s0;
	s0 =	simm.s32 @!p1 $0x0  }
0x14: {  	s2 =	sld [smem:$0x3F9A];
	s0 =	simm.s32 @p1 $0x1  }
0x15: {  	[smem:$0x3FB7] =	sst s0;
	s0 =	simm.s32 @!p2 $0x0  }
0x16: {  	s3 =	sld [smem:$0x3FDB];
	s0 =	simm.s32 @p2 $0x1  }
0x17: {  	s4 =	simm.s32 $0x1BF5;
	[smem:$0x3FB9] =	sst s0  }
0x18: {  	s0 =	sld [smem:$0x3F9C];
	_ =	swait.ge [sflag:s4], $0x0  }
0x19: {  	s7 =	sld [smem:$0x3F9D]  }
0x1a: {  	s8 =	sadd.s32 $0xFFFFE003, lr  }
0x1b: {  	s9 =	sadd.s32 $0xFFFFFEF7, lr;
	s5 =	simm.s32 $0xFFFFFFFF;
	p2 =	slt.u32 s8, $0xFFFFF086  }
0x1c: {  	p1 =	slt.u32 s9, $0xF7A;
	s5 =	simm.s32 @!p2 $0x0  }
0x1d: {  	s5 =	simm.s32 @p1 $0x1;
	p0 =	seq.s32 s7, s2  }
0x1e: {  	s7 =	smul.u32 @!p0 $0xF7A, s2;
	p2 =	seq.s32 @!p0 s5, $0x0  }
0x1f: {  	s9 =	smul.u32 $0xF7A, s1;
	s8 =	simm.s32 @!p0 $0x1BF5;
	p2 =	por !p2, p0  }
0x20: {  	[sflag:s8] =	ssyncset.s32 @!p0 $0xFFFFF086;
	s6 =	sadd.s32 @!p0 s3, s7;
	s7 =	simm.s32 @!p0 $0x108  }
0x21: {  	s3 =	sadd.s32 s3, s9;
	s6 =	sadd.s32 @!p0 $0x88, s6;
	s7 =	simm.s32 @p2 $0x1082  }
0x22: {  	[simem:s7], [sflag:s8] =	dma.local @!p0 [hbm:s6], $0xF7A  }
0x23: {  	s9 =	sor.u32 $0xD0000000, s2;
	s6 =	simm.s32 $0x108;
	_ =	swait.ge @!p0 [sflag:s8], $0x0  }
0x24: {  	s3 =	sadd.s32 $0x88, s3;
	s6 =	simm.s32 @!p1 $0x1082;
	[sflag:s4] =	ssyncset.s32 $0xFFFFF086  }
0x25: {  	[simem:s6], [sflag:s4] =	dma.local [hbm:s3], $0xF7A  }
0x26: {  	[smem:$0x3F9D] =	sst s1;
	(tag) =	ssettag s2;
	_ =	strace s9  }
0x27: {  	s1 =	sld [smem:$0x3FAD]  }
0x28: {  	s2 =	sld [smem:$0x3FAE]  }
0x29: {  	s4 =	sld [smem:$0x3FB0]  }
0x2a: {  	p0 =	seq.s32 s5, $0x0;
	s5 =	sld [smem:$0x3FB1]  }
0x2b: {  	s6 =	sld [smem:$0x3FB2]  }
0x2c: {  	s7 =	sld [smem:$0x3FB3]  }
0x2d: {  	s3 =	simm.s32 $0x108;
	s8 =	sld [smem:$0x3FB4]  }
0x2e: {  	s3 =	simm.s32 @!p0 $0x1082;
	s9 =	sld [smem:$0x3FB5]  }
0x2f: {  	lr =	sadd.s32 s0, s3;
	s0 =	sld [smem:$0x3FAC]  }
0x30: {  	s3 =	sld [smem:$0x3FAF]  }
0x31: {  	[smem:$0x3FB8] =	sst s10  }
0x32: {  	s10 =	sld [smem:$0x3FB6];
	_ =	sdelay $0x3  }
0x33: {  	p0 =	seq.s32 s10, $0x1;
	s10 =	sld [smem:$0x3FB8];
	_ =	sdelay $0x3  }
0x34: {  	[smem:$0x3FB8] =	sst s10  }
0x35: {  	s10 =	sld [smem:$0x3FB7];
	_ =	sdelay $0x3  }
0x36: {  	p1 =	seq.s32 s10, $0x1;
	s10 =	sld [smem:$0x3FB8];
	_ =	sdelay $0x3  }
0x37: {  	[smem:$0x3FB8] =	sst s10  }
0x38: {  	s10 =	sld [smem:$0x3FB9]  }
0x39: {  	_ = 	snop;
	(pc) =	sbr.ind lr, $3  }
0x3a: {  	_ = 	snop  }
0x3b: {  	_ = 	snop  }
0x3c: {  	p2 =	seq.s32 s10, $0x1;
	s10 =	sld [smem:$0x3FB8]  }
0x3d: {  	_ =	shalt  }
0x3e: {  	_ =	shalt  }
0x3f: {  	_ =	shalt  }
0x40: {  	_ =	shalt  }
0x41: {  	_ =	shalt  }
0x42: {  	_ =	shalt  }
0x43: {  	_ =	shalt  }
0x44: {  	_ =	shalt  }
0x45: {  	_ =	shalt  }
0x46: {  	_ =	shalt  }
0x47: {  	_ =	shalt  }
0x48: {  	_ =	shalt  }
0x49: {  	_ =	shalt  }
0x4a: {  	_ =	shalt  }
0x4b: {  	_ =	shalt  }
0x4c: {  	_ =	shalt  }
0x4d: {  	_ =	shalt  }
0x4e: {  	_ =	shalt  }
0x4f: {  	_ =	shalt  }
0x50: {  	_ =	shalt  }
0x51: {  	_ =	shalt  }
0x52: {  	_ =	shalt  }
0x53: {  	_ =	shalt  }
0x54: {  	_ =	shalt  }
0x55: {  	_ =	shalt  }
0x56: {  	_ =	shalt  }
0x57: {  	_ =	shalt  }
0x58: {  	_ =	shalt  }
0x59: {  	_ =	shalt  }
0x5a: {  	_ =	shalt  }
0x5b: {  	_ =	shalt  }
0x5c: {  	_ =	shalt  }
0x5d: {  	_ =	shalt  }
0x5e: {  	_ =	shalt  }
0x5f: {  	_ =	shalt  }
0x60: {  	_ =	shalt  }
0x61: {  	_ =	shalt  }
0x62: {  	_ =	shalt  }
0x63: {  	_ =	shalt  }
0x64: {  	_ =	shalt  }
0x65: {  	_ =	shalt  }
0x66: {  	_ =	shalt  }
0x67: {  	_ =	shalt  }
0x68: {  	_ =	shalt  }
0x69: {  	_ =	shalt  }
0x6a: {  	_ =	shalt  }
0x6b: {  	_ =	shalt  }
0x6c: {  	_ =	shalt  }
0x6d: {  	_ =	shalt  }
0x6e: {  	_ =	shalt  }
0x6f: {  	_ =	shalt  }
0x70: {  	_ =	shalt  }
0x71: {  	_ =	shalt  }
0x72: {  	_ =	shalt  }
0x73: {  	_ =	shalt  }
0x74: {  	_ =	shalt  }
0x75: {  	_ =	shalt  }
0x76: {  	_ =	shalt  }
0x77: {  	_ =	shalt  }
0x78: {  	_ =	shalt  }
0x79: {  	_ =	shalt  }
0x7a: {  	_ =	shalt  }
0x7b: {  	_ =	shalt  }
0x7c: {  	_ =	shalt  }
0x7d: {  	_ =	shalt  }
0x7e: {  	_ =	shalt  }
0x7f: {  	_ =	shalt  }
0x80: {  	_ =	shalt  }
0x81: {  	_ =	shalt  }
0x82: {  	_ =	shalt  }
0x83: {  	_ =	shalt  }
0x84: {  	_ =	shalt  }
0x85: {  	_ =	shalt  }
0x86: {  	_ =	shalt  }
0x87: {  	_ =	shalt  }
.Lfunc_end0:
.L_simem_size_0:
called_computation_lowered:
.L_overlay_start_0:
0x88: {  	s2 =	sld [smem:$0x3FD9]  }
0x89: {  	s3 =	sld [smem:$0x3FFE];
	_ =	sdelay $0x1  }
0x8a: {  	s1 =	srdreg.scid  }
0x8b: {  	s0 =	sand.u32 $0x1, s1  }
0x8c: {  	s17 =	sshll.u32 s0, $0xA;
	s2 =	sadd.s32 s3, s2  }
0x8d: {  	s2 =	sadd.s32 s2, s17  }
0x8e: {  	[smem:$0x3FC4] =	sst s2  }
0x8f: {  	_ = 	snop  }
0x90: {  	s2 =	sld [smem:$0x3FC7]  }
0x91: {  	s18 =	sld [smem:$0x3FD0];
	(tm) =	ssettm $0x1  }
0x92: {  	s4 =	sld [smem:$0x3FFB];
	_ =	sdelay $0x3  }
0x93: {  	_ =	strace s4  }
0x94: {  	s4 =	sld [smem:$0x3FFC];
	_ =	sdelay $0x3  }
0x95: {  	_ =	strace s4  }
0x96: {  	s4 =	sld [smem:$0x3FFD];
	_ =	sdelay $0x3  }
0x97: {  	_ =	strace s4  }
0x98: {  	_ =	strace $0x8FFFFFFF  }
0x99: {  	s19 =	sld [smem:$0x3FDB];
	_ =	sdelay $0x1  }
0x9a: {  	s5 =	simm.s32 $_scs_section_size  }
0x9b: {  	s6 =	simm.s32 $_size__tile_overlayer_lowered;
	s7 =	simm.s32 $_tile_overlayer_lowered  }
0x9c: {  	s22 =	simm.s32 $0x1BFF;
	s21 =	sshll.u32 s7, $0x1;
	s4 =	sadd.s32 s5, s19  }
0x9d: {  	s8 =	simm.s32 $0x0;
	s20 =	sshll.u32 s6, $0x1;
	s6 =	sadd.s32 s21, s4  }
0x9e: {  	[timem:s8], [sflag:s22] =	dma.local [hbm:s6], s20  }
0x9f: {  	_ =	swait.ge [sflag:s22], s20  }
0xa0: {  	s5 =	ssub.s32 $0x0, s20;
	[sflag:s22] =	ssyncset.done $0x0  }
0xa1: {  	[sflag:s22] =	ssyncadd.s32 s5;
	_ =	sdelay $0x1  }
0xa2: {  	s23 =	simm.s32 $0x1B8B  }
0xa3: {  	_ =	swait.ge [sflag:s23], $0x1  }
0xa4: {  	[sflag:s23] =	ssyncset.done $0x0  }
0xa5: {  	s25 =	simm.s32 $0x1B8E;
	s24 =	sld [smem:$0x3FFE];
	[sflag:s23] =	ssyncadd.s32 $0xFFFFFFFF  }
0xa6: {  	s26 =	simm.s32 $execute0_lowered;
	[smem:$0x3FD2] =	sst s25  }
0xa7: {  	s6 =	sshll.u32 s26, $0x1;
	_ =	strace $0x80000046;
	[dreg:$0x1] =	wrdreg $0xFFFFFFFF  }
0xa8: {  	s28 =	simm.s32 $_size_execute0_lowered;
	s4 =	sadd.s32 s4, s6;
	[dreg:$0x0] =	wrdreg $0x0  }
0xa9: {  	s6 =	sshll.u32 s28, $0x1;
	[dreg:$0x2] =	wrdreg s4  }
0xaa: {  	[dreg:$0x3] =	wrdreg s6  }
0xab: {  	[dreg:$0x4] =	wrdreg $0xC0  }
0xac: {  	_ =	task [dreg:s8], $0x5FFFF  }
0xad: {  	[dreg:$0x1] =	wrdreg $0xFFFFFFFF  }
0xae: {  	[dreg:$0x0] =	wrdreg $0x60  }
0xaf: {  	[dreg:$0x2] =	wrdreg s24  }
0xb0: {  	[dreg:$0x3] =	wrdreg s2  }
0xb1: {  	[dreg:$0x4] =	wrdreg s18  }
0xb2: {  	[dreg:$0x5] =	wrdreg $0x9  }
0xb3: {  	_ =	task.clear_ibuf [dreg:s8], $0x6FFFF;
	_ =	strace $0x90000046  }
0xb4: {  	s29 =	simm.s32 $0x9;
	_ =	strace $0x80000048  }
0xb5: {  	_ =	swait.ge [sflag:s29], $0x1  }
0xb6: {  	[sflag:s29] =	ssyncadd.s32 $0xFFFFFFFF  }
0xb7: {  	_ =	strace $0x90000048  }
0xb8: {  	_ =	sfence  }
0xb9: {  	s30 =	sld [smem:$0x0];
	_ =	sdelay $0x2  }
0xba: {  	s31 =	sshll.u32 s1, $0xD;
	s1 =	sshrl.u32 s1, $0x2  }
0xbb: {  	s3 =	sand.u32 $0x4000, s31;
	s1 =	sadd.s32 s1, s30  }
0xbc: {  	s0 =	sor.u32 s3, s0;
	s1 =	sshll.u32 s1, $0x11  }
0xbd: {  	s0 =	sor.u32 s1, s0  }
0xbe: {  	s0 =	sadd.s32 $0x8F2B, s0  }
0xbf: {  	[sflag:s0] =	ssyncadd.remote.s32 $0x1  }
0xc0: {  	_ =	sfence.sel $0xFFFF  }
0xc1: {  	[dreg:$0x0] =	wrdreg $0xFFFFFFFF;
	(pc) =	sbr.abs _section_cstart, $3  }
0xc2: {  	[dreg:$0x1] =	wrdreg $0xFFFFFFFF  }
0xc3: {  	_ =	task.clear_ibuf [dreg:s8], $0x2FFFF;
	_ =	strace $0x9FFFFFFF  }
0xc4: {  	(tm) =	ssettm $0x7FFFFFFF  }
0xc5: {  	_ =	shalt  }
tec
execute0_lowered:
.L_overlay_start_1:
0x0: {  	(tag) =	ssettag $0x1  }
0x1: {  	v0 =	vlaneseq.u32  }
0x2: {  	v1 =	vmul.u32 $0x1A, v0;
	_ =	sdelay $0x1  }
0x3: {  	v2 =	vor.u32 $0x1, v1  }
0x4: {  	v23 =	vmul.u32 $0x340, v0;
	v0 =	vadd.s32 $0x17, v1;
	[tilespmem:$0x1FE00] =	vst v2  }
0x5: {  	v2 =	vadd.s32 $0x2, v1;
	[tilespmem:$0x1FF60] =	vst v0  }
0x6: {  	v0 =	vadd.s32 $0x18, v1;
	[tilespmem:$0x1FE10] =	vst v2  }
0x7: {  	v2 =	vadd.s32 $0x3, v1;
	[tilespmem:$0x1FF70] =	vst v0  }
0x8: {  	v0 =	vadd.s32 $0x19, v1;
	[tilespmem:$0x1FE20] =	vst v2  }
0x9: {  	v2 =	vadd.s32 $0x4, v1;
	[tilespmem:$0x1FF80] =	vst v0  }
0xa: {  	[tilespmem:$0x1FE30] =	vst v2;
	v2 =	vadd.s32 $0x5, v1  }
0xb: {  	[tilespmem:$0x1FE40] =	vst v2;
	v2 =	vadd.s32 $0x6, v1  }
0xc: {  	[tilespmem:$0x1FE50] =	vst v2;
	v2 =	vadd.s32 $0x7, v1  }
0xd: {  	[tilespmem:$0x1FE60] =	vst v2;
	v2 =	vadd.s32 $0x8, v1  }
0xe: {  	[tilespmem:$0x1FE70] =	vst v2;
	v2 =	vadd.s32 $0x9, v1  }
0xf: {  	[tilespmem:$0x1FE80] =	vst v2;
	v2 =	vadd.s32 $0xA, v1  }
0x10: {  	[tilespmem:$0x1FE90] =	vst v2;
	v2 =	vadd.s32 $0xB, v1  }
0x11: {  	[tilespmem:$0x1FEA0] =	vst v2;
	v2 =	vadd.s32 $0xC, v1  }
0x12: {  	[tilespmem:$0x1FEB0] =	vst v2;
	v2 =	vadd.s32 $0xD, v1  }
0x13: {  	[tilespmem:$0x1FEC0] =	vst v2;
	v2 =	vadd.s32 $0xE, v1  }
0x14: {  	[tilespmem:$0x1FED0] =	vst v2;
	v2 =	vadd.s32 $0xF, v1  }
0x15: {  	[tilespmem:$0x1FEE0] =	vst v2;
	v2 =	vadd.s32 $0x10, v1  }
0x16: {  	[tilespmem:$0x1FEF0] =	vst v2;
	v2 =	vadd.s32 $0x11, v1  }
0x17: {  	[tilespmem:$0x1FF00] =	vst v2;
	v2 =	vadd.s32 $0x12, v1  }
0x18: {  	[tilespmem:$0x1FF10] =	vst v2;
	v2 =	vadd.s32 $0x13, v1  }
0x19: {  	s5 =	rddreg [dreg:$0x0];
	v28 =	vadd.s32 $0x40, v23;
	v29 =	vadd.s32 $0x60, v23;
	[tilespmem:$0x1FF20] =	vst v2;
	v2 =	vadd.s32 $0x14, v1  }
0x1a: {  	s0 =	rddreg [dreg:$0x1];
	v30 =	vadd.s32 $0x80, v23;
	v31 =	vadd.s32 $0xA0, v23;
	[tilespmem:$0x1FF30] =	vst v2;
	v2 =	vadd.s32 $0x15, v1  }
0x1b: {  	s2 =	rddreg [dreg:$0x2];
	s3 =	simm.s32 $0x0;
	v32 =	vadd.s32 $0xC0, v23;
	v33 =	vadd.s32 $0xE0, v23;
	[tilespmem:$0x1FF40] =	vst v2;
	v2 =	vadd.s32 $0x16, v1  }
0x1c: {  	s10 =	simm.s32 $0x340;
	[smem:$0x7FF] =	sst s3;
	v34 =	vadd.s32 $0x100, v23;
	v35 =	vadd.s32 $0x120, v23;
	v0 =	vadd.s32 $0x1A0, v1;
	[tilespmem:$0x1FF50] =	vst v2  }
0x1d: {  	s1 =	rddreg [dreg:$0x3];
	s4 =	srdreg.scid;
	v36 =	vadd.s32 $0x140, v23;
	v37 =	vadd.s32 $0x160, v23;
	v38 =	vadd.s32 $0x180, v23;
	_ =	strace $0x80000047;
	[tilespmem:$0x1FF90] =	vst v0  }
0x1e: {  	s11 =	simm.s32 $0x6B40;
	s12 =	simm.s32 $0x1;
	s13 =	simm.s32 $0x2;
	v39 =	vadd.s32 $0x1A0, v23;
	v40 =	vadd.s32 $0x1C0, v23;
	v2 =	vor.u32 $0x20, v23;
	[tilespmem:$0x1FFD0] =	vst v1  }
0x1f: {  	s14 =	simm.s32 $0x6E80;
	s15 =	simm.s32 $0x0;
	s7 =	sand.u32 $0x1, s4;
	v41 =	vadd.s32 $0x1E0, v23;
	v42 =	vadd.s32 $0x200, v23;
	v0 =	vadd.s32 $0x1A1, v1;
	[tilespmem:$0x1FFF0] =	vst v2  }
0x20: {  	s19 =	simm.s32 $0x0;
	s4 =	sadd.s32 $0x600, s5;
	s8 =	ssub.s32 $0x2, s7;
	v43 =	vadd.s32 $0x220, v23;
	v44 =	vadd.s32 $0x240, v23;
	[tilespmem:$0x1FFA0] =	vst v0;
	v0 =	vadd.s32 $0x1A2, v1  }
0x21: {  	s6 =	sadd.s32 $0xF42A00, s5;
	s5 =	stileid.u32;
	s9 =	sshrl.u32 s8, $0x1;
	v45 =	vadd.s32 $0x260, v23;
	v46 =	vadd.s32 $0x280, v23;
	[tilespmem:$0x1FFB0] =	vst v0;
	v0 =	vadd.s32 $0x1A3, v1  }
0x22: {  	s31 =	sshll.u32 s5, $0xA;
	s7 =	sshll.u32 s7, $0x9;
	v47 =	vadd.s32 $0x2A0, v23;
	v48 =	vadd.s32 $0x2C0, v23;
	s8 =	ssub.s32 s8, s9;
	[tilespmem:$0x1FFC0] =	vst v0;
	v0 =	vadd.s32 $0x1A4, v1  }
0x23: {  	s7 =	sor.u32 s7, s31;
	v49 =	vadd.s32 $0x2E0, v23;
	v50 =	vadd.s32 $0x300, v23;
	v51 =	vadd.s32 $0x320, v23;
	s9 =	simm.s32 $0x3;
	s8 =	smax.u32 s8, $0x1;
	[tilespmem:$0x1FFE0] =	vst v0  }
.LBB2_1:
0x24: {  	s16 =	simm.s32 $0x0  }
.LBB2_2:
0x25: {  	s17 =	sshll.u32 s16, $0x5  }
0x26: {  	s17 =	sadd.s32 s7, s17  }
0x27: {  	s18 =	smul.u32 $0x1A, s17;
	_ =	sdelay $0x1  }
0x28: {  	s18 =	sshrl.u32 s18, $0x3  }
0x29: {  	s18 =	sadd.s32 s4, s18  }
0x2a: {  	[tilespmem:s19], [sflag:$0x3] =	stream.linear.gather [hbm4b:s18+s19], $0x340, $0x38;
	[tilespmem:$0x6EA0] =	vst v63  }
0x2b: {  	_ =	swait.ge [sflag:s9], $0x340  }
0x2c: {  	[sflag:s9] =	ssyncset.done $0x0  }
0x2d: {  	[sflag:s9] =	ssyncadd.s32 $0xFFFFFCC0  }
0x2e: {  	[tilespmem:s10], [sflag:$0x1] =	stream.indirect.gather [hbm4b:s6+s10], $0x20, s19, s10, $0xb8;
	[tilespmem:$0x6EA0] =	vst v63  }
0x2f: {  	_ = 	snop  }
0x30: {  	[tilespmem:s11], [sflag:$0x2] =	stream.indirect.gather [hbm4b:s0+s10], $0x1, s19, s10, $0xb8;
	[tilespmem:$0x6EA0] =	vst v63  }
0x31: {  	_ =	swait.ge [sflag:s12], $0x6800  }
0x32: {  	[sflag:s12] =	ssyncset.done $0x0  }
0x33: {  	[sflag:s12] =	ssyncadd.s32 $0xFFFF9800  }
0x34: {  	_ =	swait.ge [sflag:s13], $0x340  }
0x35: {  	v1 =	vld [tilespmem:$0x1FE00];
	_ =	sdelay $0x5  }
0x36: {  	[sflag:s13] =	ssyncset.done $0x0  }
0x37: {  	[sflag:s13] =	ssyncadd.s32 $0xFFFFFCC0  }
0x38: {  	v22 =	vld.idx.msk [tilespmem:v1+s11+$0x0], $0xffff  }
0x39: {  	v1 =	vld [tilespmem:$0x1FE10];
	_ =	sdelay $0x4  }
0x3a: {  	v0 =	vmov s19  }
0x3b: {  	v0 =	vand.u32 $0x1F, v0  }
0x3c: {  	v24 =	vbroadcast v0, $0x0  }
0x3d: {  	v61 =	vld.idx.msk [tilespmem:v1+s11+$0x0], $0xffff  }
0x3e: {  	v1 =	vor.u32 v2, v24;
	v2 =	vld [tilespmem:$0x1FE20];
	_ =	sdelay $0x4  }
0x3f: {  	v0 =	vld [tilespmem:$0x1FFD0];
	_ =	sdelay $0x2  }
0x40: {  	v60 =	vld.idx.msk [tilespmem:v2+s11+$0x0], $0xffff  }
0x41: {  	v2 =	vld [tilespmem:$0x1FE30];
	_ =	sdelay $0x1  }
0x42: {  	v3 =	vld [tilespmem:$0x1FE40]  }
0x43: {  	v4 =	vld [tilespmem:$0x1FE50]  }
0x44: {  	v21 =	vld.idx.msk [tilespmem:v0+s11+$0x0], $0xffff;
	v0 =	vor.u32 v23, v24;
	_ =	sdelay $0x1  }
0x45: {  	v5 =	vld [tilespmem:$0x1FE60]  }
0x46: {  	v8 =	vld [tilespmem:$0x1FE70]  }
0x47: {  	v59 =	vld.idx.msk [tilespmem:v2+s11+$0x0], $0xffff;
	v2 =	vor.u32 v28, v24  }
0x48: {  	v0 =	vld.idx.msk [tilespmem:v0+s10+$0x0], $0xffff  }
0x49: {  	v20 =	vld.idx.msk [tilespmem:v3+s11+$0x0], $0xffff;
	v3 =	vor.u32 v29, v24  }
0x4a: {  	v1 =	vld.idx.msk [tilespmem:v1+s10+$0x0], $0xffff  }
0x4b: {  	v17 =	vld.idx.msk [tilespmem:v4+s11+$0x0], $0xffff;
	v4 =	vor.u32 v30, v24  }
0x4c: {  	v2 =	vld.idx.msk [tilespmem:v2+s10+$0x0], $0xffff  }
0x4d: {  	v10 =	vld.idx.msk [tilespmem:v5+s11+$0x0], $0xffff;
	v5 =	vor.u32 v31, v24;
	v6 =	vmul.f32 v0, v0  }
0x4e: {  	v57 =	vimm.f32 $0.0e+00;
	v7 =	vor.u32 v32, v24;
	v3 =	vld.idx.msk [tilespmem:v3+s10+$0x0], $0xffff  }
0x4f: {  	v11 =	vld.idx.msk [tilespmem:v8+s11+$0x0], $0xffff;
	v6 =	vadd.f32 v6, v57;
	v0 =	vadd.f32 v1, v0;
	v1 =	vmul.f32 v1, v1  }
0x50: {  	v8 =	vor.u32 v33, v24;
	v4 =	vld.idx.msk [tilespmem:v4+s10+$0x0], $0xffff  }
0x51: {  	v1 =	vadd.f32 v1, v6;
	v0 =	vadd.f32 v2, v0;
	v2 =	vmul.f32 v2, v2  }
0x52: {  	v5 =	vld.idx.msk [tilespmem:v5+s10+$0x0], $0xffff  }
0x53: {  	v1 =	vadd.f32 v2, v1;
	v2 =	vmul.f32 v3, v3  }
0x54: {  	v0 =	vadd.f32 v3, v0;
	v3 =	vld.idx.msk [tilespmem:v7+s10+$0x0], $0xffff  }
0x55: {  	v1 =	vadd.f32 v2, v1;
	v2 =	vmul.f32 v4, v4  }
0x56: {  	v0 =	vadd.f32 v4, v0;
	v4 =	vld.idx.msk [tilespmem:v8+s10+$0x0], $0xffff  }
0x57: {  	v1 =	vadd.f32 v2, v1;
	v2 =	vmul.f32 v5, v5;
	_ =	sdelay $0x1  }
0x58: {  	v1 =	vadd.f32 v2, v1;
	v2 =	vmul.f32 v3, v3;
	_ =	sdelay $0x1  }
0x59: {  	v1 =	vadd.f32 v2, v1;
	v2 =	vmul.f32 v4, v4;
	_ =	sdelay $0x1  }
0x5a: {  	v2 =	vadd.f32 v2, v1;
	v1 =	vld [tilespmem:$0x1FEF0];
	_ =	sdelay $0x7  }
0x5b: {  	v1 =	vld.idx.msk [tilespmem:v1+s11+$0x0], $0xffff;
	_ =	sdelay $0x4  }
0x5c: {  	[tilespmem:$0x1FDB0] =	vst v1;
	v1 =	vld [tilespmem:$0x1FF00];
	_ =	sdelay $0x7  }
0x5d: {  	v1 =	vld.idx.msk [tilespmem:v1+s11+$0x0], $0xffff;
	_ =	sdelay $0x4  }
0x5e: {  	[tilespmem:$0x1FDC0] =	vst v1;
	v1 =	vld [tilespmem:$0x1FF10];
	_ =	sdelay $0x3  }
0x5f: {  	v9 =	vld [tilespmem:$0x1FE80];
	_ =	sdelay $0x3  }
0x60: {  	v1 =	vld.idx.msk [tilespmem:v1+s11+$0x0], $0xffff;
	_ =	sdelay $0x3  }
0x61: {  	v12 =	vld.idx.msk [tilespmem:v9+s11+$0x0], $0xffff  }
0x62: {  	[tilespmem:$0x1FDD0] =	vst v1;
	v1 =	vld [tilespmem:$0x1FF20]  }
0x63: {  	v9 =	vld [tilespmem:$0x1FE90];
	_ =	sdelay $0x6  }
0x64: {  	v1 =	vld.idx.msk [tilespmem:v1+s11+$0x0], $0xffff  }
0x65: {  	v13 =	vld.idx.msk [tilespmem:v9+s11+$0x0], $0xffff  }
0x66: {  	v9 =	vld [tilespmem:$0x1FEA0];
	_ =	sdelay $0x2  }
0x67: {  	[tilespmem:$0x1FDE0] =	vst v1;
	v1 =	vld [tilespmem:$0x1FF30]  }
0x68: {  	v6 =	vor.u32 v34, v24  }
0x69: {  	v7 =	vor.u32 v35, v24;
	_ =	sdelay $0x2  }
0x6a: {  	v14 =	vld.idx.msk [tilespmem:v9+s11+$0x0], $0xffff;
	v9 =	vor.u32 v36, v24;
	v0 =	vadd.f32 v5, v0  }
0x6b: {  	v6 =	vld.idx.msk [tilespmem:v6+s10+$0x0], $0xffff  }
0x6c: {  	v18 =	vor.u32 v37, v24;
	v0 =	vadd.f32 v3, v0;
	v3 =	vld.idx.msk [tilespmem:v7+s10+$0x0], $0xffff  }
0x6d: {  	v1 =	vld.idx.msk [tilespmem:v1+s11+$0x0], $0xffff  }
0x6e: {  	v7 =	vor.u32 v38, v24;
	v0 =	vadd.f32 v4, v0  }
0x6f: {  	v4 =	vld.idx.msk [tilespmem:v9+s10+$0x0], $0xffff  }
0x70: {  	v0 =	vadd.f32 v6, v0;
	v6 =	vmul.f32 v6, v6  }
0x71: {  	v18 =	vld.idx.msk [tilespmem:v18+s10+$0x0], $0xffff  }
0x72: {  	v6 =	vadd.f32 v6, v2;
	v0 =	vadd.f32 v3, v0;
	v3 =	vmul.f32 v3, v3;
	[tilespmem:$0x1FDF0] =	vst v1;
	v1 =	vld [tilespmem:$0x1FF40]  }
0x73: {  	v7 =	vld.idx.msk [tilespmem:v7+s10+$0x0], $0xffff  }
0x74: {  	v6 =	vadd.f32 v3, v6;
	v0 =	vadd.f32 v4, v0;
	v4 =	vmul.f32 v4, v4;
	_ =	sdelay $0x1  }
0x75: {  	v6 =	vadd.f32 v4, v6;
	v0 =	vadd.f32 v18, v0;
	v18 =	vmul.f32 v18, v18  }
0x76: {  	v9 =	vor.u32 v39, v24  }
0x77: {  	v18 =	vadd.f32 v18, v6;
	v0 =	vadd.f32 v7, v0;
	v7 =	vmul.f32 v7, v7;
	_ =	sdelay $0x1  }
0x78: {  	v18 =	vadd.f32 v7, v18;
	v7 =	vld.idx.msk [tilespmem:v1+s11+$0x0], $0xffff  }
0x79: {  	v1 =	vld [tilespmem:$0x1FF50]  }
0x7a: {  	v9 =	vld.idx.msk [tilespmem:v9+s10+$0x0], $0xffff;
	_ =	sdelay $0x2  }
0x7b: {  	v5 =	vld [tilespmem:$0x1FEC0]  }
0x7c: {  	v19 =	vor.u32 v40, v24  }
0x7d: {  	v0 =	vadd.f32 v9, v0;
	v9 =	vmul.f32 v9, v9;
	_ =	sdelay $0x1  }
0x7e: {  	v18 =	vadd.f32 v9, v18;
	v9 =	vld.idx.msk [tilespmem:v1+s11+$0x0], $0xffff  }
0x7f: {  	v1 =	vld [tilespmem:$0x1FF60]  }
0x80: {  	v19 =	vld.idx.msk [tilespmem:v19+s10+$0x0], $0xffff  }
0x81: {  	v8 =	vld [tilespmem:$0x1FEB0]  }
0x82: {  	v16 =	vld.idx.msk [tilespmem:v5+s11+$0x0], $0xffff  }
0x83: {  	v5 =	vld [tilespmem:$0x1FED0];
	_ =	sdelay $0x1  }
0x84: {  	v0 =	vadd.f32 v19, v0;
	v19 =	vmul.f32 v19, v19;
	_ =	sdelay $0x1  }
0x85: {  	v19 =	vadd.f32 v19, v18;
	v18 =	vld.idx.msk [tilespmem:v1+s11+$0x0], $0xffff  }
0x86: {  	v25 =	vor.u32 v41, v24;
	v1 =	vld [tilespmem:$0x1FF70]  }
0x87: {  	v26 =	vor.u32 v42, v24  }
0x88: {  	v27 =	vor.u32 v43, v24;
	v15 =	vld.idx.msk [tilespmem:v8+s11+$0x0], $0xffff  }
0x89: {  	v8 =	vld.idx.msk [tilespmem:v5+s11+$0x0], $0xffff  }
0x8a: {  	v5 =	vld [tilespmem:$0x1FEE0]  }
0x8b: {  	v25 =	vld.idx.msk [tilespmem:v25+s10+$0x0], $0xffff  }
0x8c: {  	v52 =	vor.u32 v44, v24;
	v26 =	vld.idx.msk [tilespmem:v26+s10+$0x0], $0xffff  }
0x8d: {  	v27 =	vld.idx.msk [tilespmem:v27+s10+$0x0], $0xffff  }
0x8e: {  	v53 =	vor.u32 v45, v24;
	v58 =	vld.idx.msk [tilespmem:v1+s11+$0x0], $0xffff  }
0x8f: {  	v1 =	vld [tilespmem:$0x1FF80]  }
0x90: {  	v54 =	vor.u32 v46, v24;
	v0 =	vadd.f32 v25, v0;
	v25 =	vmul.f32 v25, v25  }
0x91: {  	v63 =	vor.u32 v47, v24;
	v62 =	vld.idx.msk [tilespmem:v52+s10+$0x0], $0xffff  }
0x92: {  	v25 =	vadd.f32 v25, v19;
	v0 =	vadd.f32 v26, v0;
	v26 =	vmul.f32 v26, v26;
	v5 =	vld.idx.msk [tilespmem:v5+s11+$0x0], $0xffff  }
0x93: {  	v55 =	vor.u32 v48, v24;
	v52 =	vld.idx.msk [tilespmem:v53+s10+$0x0], $0xffff  }
0x94: {  	v2 =	vld [tilespmem:$0x1FFF0];
	v25 =	vadd.f32 v26, v25;
	v0 =	vadd.f32 v27, v0;
	v27 =	vmul.f32 v27, v27  }
0x95: {  	v26 =	vld.idx.msk [tilespmem:v54+s10+$0x0], $0xffff;
	v54 =	vor.u32 v49, v24  }
0x96: {  	s31 =	simm.s32 $0x1;
	v56 =	vadd.f32 v27, v25;
	v53 =	vadd.f32 v62, v0;
	v0 =	vmul.f32 v62, v62;
	v25 =	vld.idx.msk [tilespmem:v63+s10+$0x0], $0xffff  }
0x97: {  	s18 =	simm.s32 $0x2;
	v27 =	vmov s31;
	v63 =	vor.u32 v50, v24;
	[tilespmem:$0x1FDA0] =	vst v5;
	v19 =	vld.idx.msk [tilespmem:v1+s11+$0x0], $0xffff  }
.LBB2_3:
0x98: {  	p0 =	sne.s32 s18, $0x1F;
	v27 =	vand.u32 $0x1F, v27;
	v0 =	vadd.f32 v0, v56;
	v56 =	vmul.f32 v52, v52;
	v55 =	vld.idx.msk [tilespmem:v55+s10+$0x0], $0xffff  }
0x99: {  	v52 =	vadd.f32 v52, v53;
	v53 =	vor.u32 v51, v24;
	v24 =	vbroadcast v27, $0x0  }
0x9a: {  	v27 =	vmul.f32 v26, v26;
	v0 =	vadd.f32 v56, v0;
	v54 =	vld.idx.msk [tilespmem:v54+s10+$0x0], $0xffff  }
0x9b: {  	v26 =	vadd.f32 v26, v52;
	v56 =	vor.u32 v23, v24  }
0x9c: {  	v0 =	vadd.f32 v27, v0;
	v27 =	vmul.f32 v25, v25;
	v52 =	vld.idx.msk [tilespmem:v63+s10+$0x0], $0xffff  }
0x9d: {  	v62 =	vor.u32 v2, v24;
	v25 =	vadd.f32 v25, v26  }
0x9e: {  	v26 =	vmul.f32 v55, v55;
	v0 =	vadd.f32 v27, v0;
	v27 =	vld.idx.msk [tilespmem:v53+s10+$0x0], $0xffff  }
0x9f: {  	v53 =	vor.u32 v28, v24;
	v25 =	vadd.f32 v55, v25  }
0xa0: {  	v55 =	vld.idx.msk [tilespmem:v56+s10+$0x0], $0xffff;
	v0 =	vadd.f32 v26, v0;
	v26 =	vmul.f32 v54, v54  }
0xa1: {  	v56 =	vor.u32 v29, v24;
	v25 =	vadd.f32 v54, v25  }
0xa2: {  	v54 =	vld.idx.msk [tilespmem:v62+s10+$0x0], $0xffff;
	v0 =	vadd.f32 v26, v0;
	v26 =	vmul.f32 v52, v52  }
0xa3: {  	v62 =	vor.u32 v30, v24;
	v25 =	vadd.f32 v52, v25  }
0xa4: {  	v52 =	vld.idx.msk [tilespmem:v53+s10+$0x0], $0xffff;
	v0 =	vadd.f32 v26, v0;
	v26 =	vmul.f32 v27, v27  }
0xa5: {  	v53 =	vor.u32 v31, v24;
	v25 =	vadd.f32 v27, v25  }
0xa6: {  	v27 =	vmul.f32 v55, v55;
	v56 =	vld.idx.msk [tilespmem:v56+s10+$0x0], $0xffff;
	v0 =	vadd.f32 v26, v0  }
0xa7: {  	v26 =	vor.u32 v32, v24;
	v25 =	vmul.f32 v25, v25  }
0xa8: {  	v0 =	vadd.f32 v27, v0;
	v27 =	vadd.f32 v54, v55;
	v54 =	vmul.f32 v54, v54;
	v55 =	vld.idx.msk [tilespmem:v62+s10+$0x0], $0xffff  }
0xa9: {  	v62 =	vor.u32 v33, v24;
	v57 =	vadd.f32 v25, v57  }
0xaa: {  	v0 =	vadd.f32 v54, v0;
	v25 =	vadd.f32 v52, v27;
	v27 =	vmul.f32 v52, v52;
	v52 =	vld.idx.msk [tilespmem:v53+s10+$0x0], $0xffff  }
0xab: {  	v53 =	vor.u32 v34, v24  }
0xac: {  	v0 =	vadd.f32 v27, v0;
	v25 =	vadd.f32 v56, v25;
	v27 =	vmul.f32 v56, v56;
	v26 =	vld.idx.msk [tilespmem:v26+s10+$0x0], $0xffff  }
0xad: {  	v54 =	vor.u32 v35, v24  }
0xae: {  	v0 =	vadd.f32 v27, v0;
	v25 =	vadd.f32 v55, v25;
	v27 =	vmul.f32 v55, v55;
	v55 =	vld.idx.msk [tilespmem:v62+s10+$0x0], $0xffff  }
0xaf: {  	v56 =	vor.u32 v36, v24  }
0xb0: {  	v0 =	vadd.f32 v27, v0;
	v25 =	vadd.f32 v52, v25;
	v27 =	vmul.f32 v52, v52;
	v52 =	vld.idx.msk [tilespmem:v53+s10+$0x0], $0xffff  }
0xb1: {  	v53 =	vor.u32 v37, v24  }
0xb2: {  	v0 =	vadd.f32 v27, v0;
	v25 =	vadd.f32 v26, v25;
	v26 =	vmul.f32 v26, v26;
	v27 =	vld.idx.msk [tilespmem:v54+s10+$0x0], $0xffff  }
0xb3: {  	v54 =	vor.u32 v38, v24  }
0xb4: {  	v0 =	vadd.f32 v26, v0;
	v25 =	vadd.f32 v55, v25;
	v26 =	vmul.f32 v55, v55;
	v55 =	vld.idx.msk [tilespmem:v56+s10+$0x0], $0xffff  }
0xb5: {  	v56 =	vor.u32 v39, v24  }
0xb6: {  	v0 =	vadd.f32 v26, v0;
	v25 =	vadd.f32 v52, v25;
	v26 =	vmul.f32 v52, v52;
	v52 =	vld.idx.msk [tilespmem:v53+s10+$0x0], $0xffff  }
0xb7: {  	v53 =	vor.u32 v40, v24  }
0xb8: {  	v0 =	vadd.f32 v26, v0;
	v25 =	vadd.f32 v27, v25;
	v26 =	vmul.f32 v27, v27;
	v27 =	vld.idx.msk [tilespmem:v54+s10+$0x0], $0xffff  }
0xb9: {  	v54 =	vor.u32 v41, v24  }
0xba: {  	v0 =	vadd.f32 v26, v0;
	v25 =	vadd.f32 v55, v25;
	v26 =	vmul.f32 v55, v55;
	v55 =	vld.idx.msk [tilespmem:v56+s10+$0x0], $0xffff  }
0xbb: {  	v56 =	vor.u32 v42, v24  }
0xbc: {  	v0 =	vadd.f32 v26, v0;
	v25 =	vadd.f32 v52, v25;
	v26 =	vmul.f32 v52, v52;
	v52 =	vld.idx.msk [tilespmem:v53+s10+$0x0], $0xffff  }
0xbd: {  	v53 =	vor.u32 v43, v24  }
0xbe: {  	v0 =	vadd.f32 v26, v0;
	v25 =	vadd.f32 v27, v25;
	v26 =	vmul.f32 v27, v27;
	v27 =	vld.idx.msk [tilespmem:v54+s10+$0x0], $0xffff  }
0xbf: {  	v54 =	vor.u32 v44, v24  }
0xc0: {  	v0 =	vadd.f32 v26, v0;
	v25 =	vadd.f32 v55, v25;
	v26 =	vmul.f32 v55, v55;
	v55 =	vld.idx.msk [tilespmem:v56+s10+$0x0], $0xffff  }
0xc1: {  	v56 =	vor.u32 v45, v24  }
0xc2: {  	v0 =	vadd.f32 v26, v0;
	v25 =	vadd.f32 v52, v25;
	v26 =	vmul.f32 v52, v52;
	v53 =	vld.idx.msk [tilespmem:v53+s10+$0x0], $0xffff  }
0xc3: {  	v62 =	vor.u32 v46, v24  }
0xc4: {  	v0 =	vadd.f32 v26, v0;
	v25 =	vadd.f32 v27, v25;
	v26 =	vmul.f32 v27, v27;
	v27 =	vld.idx.msk [tilespmem:v54+s10+$0x0], $0xffff  }
0xc5: {  	v63 =	vor.u32 v47, v24  }
0xc6: {  	v0 =	vadd.f32 v26, v0;
	v25 =	vadd.f32 v55, v25;
	v26 =	vmul.f32 v55, v55;
	v52 =	vld.idx.msk [tilespmem:v56+s10+$0x0], $0xffff  }
.Ltmp0:
0xc7: {  	v55 =	vor.u32 v48, v24;
	(pc) =	sbr.rel @p0 .LBB2_3-.Ltmp0, $4  }
0xc8: {  	v0 =	vadd.f32 v26, v0;
	v25 =	vadd.f32 v53, v25;
	v53 =	vmul.f32 v53, v53;
	v26 =	vld.idx.msk [tilespmem:v62+s10+$0x0], $0xffff  }
0xc9: {  	v54 =	vor.u32 v49, v24  }
0xca: {  	v56 =	vadd.f32 v53, v0;
	v53 =	vadd.f32 v27, v25;
	v0 =	vmul.f32 v27, v27;
	v25 =	vld.idx.msk [tilespmem:v63+s10+$0x0], $0xffff  }
0xcb: {  	v27 =	vmov s18;
	s18 =	sadd.s32 $0x1, s18;
	v63 =	vor.u32 v50, v24  }
0xcc: {  	_ =	sdelay $0x2  }
0xcd: {  	v0 =	vadd.f32 v0, v56;
	v1 =	vmul.f32 v52, v52  }
0xce: {  	v27 =	vand.u32 $0x1F, v27;
	v56 =	vld.idx.msk [tilespmem:v55+s10+$0x0], $0xffff;
	v24 =	vor.u32 v51, v24  }
0xcf: {  	v62 =	vbroadcast v27, $0x0;
	v0 =	vadd.f32 v1, v0;
	v1 =	vmul.f32 v26, v26  }
0xd0: {  	v55 =	vld.idx.msk [tilespmem:v54+s10+$0x0], $0xffff  }
0xd1: {  	v27 =	vor.u32 v23, v62;
	v0 =	vadd.f32 v1, v0;
	v1 =	vmul.f32 v25, v25  }
0xd2: {  	v54 =	vld.idx.msk [tilespmem:v63+s10+$0x0], $0xffff;
	v63 =	vor.u32 v2, v62  }
0xd3: {  	v0 =	vadd.f32 v1, v0;
	v1 =	vmul.f32 v56, v56  }
0xd4: {  	v2 =	vor.u32 v28, v62;
	v24 =	vld.idx.msk [tilespmem:v24+s10+$0x0], $0xffff  }
0xd5: {  	v0 =	vadd.f32 v1, v0;
	v1 =	vmul.f32 v55, v55  }
0xd6: {  	v3 =	vor.u32 v29, v62;
	v27 =	vld.idx.msk [tilespmem:v27+s10+$0x0], $0xffff  }
0xd7: {  	v63 =	vld.idx.msk [tilespmem:v63+s10+$0x0], $0xffff;
	v0 =	vadd.f32 v1, v0;
	v1 =	vmul.f32 v54, v54  }
0xd8: {  	v4 =	vor.u32 v30, v62  }
0xd9: {  	v2 =	vld.idx.msk [tilespmem:v2+s10+$0x0], $0xffff;
	v0 =	vadd.f32 v1, v0;
	v1 =	vmul.f32 v24, v24  }
0xda: {  	v5 =	vor.u32 v31, v62  }
0xdb: {  	v3 =	vld.idx.msk [tilespmem:v3+s10+$0x0], $0xffff;
	v6 =	vmul.f32 v27, v27;
	v0 =	vadd.f32 v1, v0  }
0xdc: {  	v27 =	vadd.f32 v63, v27;
	v1 =	vor.u32 v32, v62  }
0xdd: {  	v4 =	vld.idx.msk [tilespmem:v4+s10+$0x0], $0xffff;
	v0 =	vadd.f32 v6, v0;
	v6 =	vmul.f32 v63, v63  }
0xde: {  	v27 =	vadd.f32 v2, v27;
	v63 =	vor.u32 v33, v62  }
0xdf: {  	v5 =	vld.idx.msk [tilespmem:v5+s10+$0x0], $0xffff;
	v2 =	vmul.f32 v2, v2;
	v0 =	vadd.f32 v6, v0  }
0xe0: {  	v27 =	vadd.f32 v3, v27;
	v6 =	vor.u32 v34, v62  }
0xe1: {  	v21 =	vadd.f32 v22, v21;
	v1 =	vld.idx.msk [tilespmem:v1+s10+$0x0], $0xffff;
	v0 =	vadd.f32 v2, v0;
	v2 =	vmul.f32 v3, v3  }
0xe2: {  	v27 =	vadd.f32 v4, v27;
	v3 =	vor.u32 v35, v62  }
0xe3: {  	v21 =	vadd.f32 v61, v21;
	v0 =	vadd.f32 v2, v0;
	v2 =	vmul.f32 v4, v4;
	v4 =	vld.idx.msk [tilespmem:v63+s10+$0x0], $0xffff  }
0xe4: {  	v27 =	vadd.f32 v5, v27;
	v63 =	vor.u32 v36, v62  }
0xe5: {  	v21 =	vadd.f32 v60, v21;
	v0 =	vadd.f32 v2, v0;
	v2 =	vmul.f32 v5, v5;
	v5 =	vld.idx.msk [tilespmem:v6+s10+$0x0], $0xffff  }
0xe6: {  	v6 =	vor.u32 v37, v62;
	v22 =	vadd.f32 v1, v27  }
0xe7: {  	v21 =	vadd.f32 v59, v21;
	v1 =	vmul.f32 v1, v1;
	v0 =	vadd.f32 v2, v0;
	v2 =	vld.idx.msk [tilespmem:v3+s10+$0x0], $0xffff  }
0xe8: {  	v3 =	vor.u32 v38, v62;
	v22 =	vadd.f32 v4, v22  }
0xe9: {  	v20 =	vadd.f32 v20, v21;
	v0 =	vadd.f32 v1, v0;
	v1 =	vmul.f32 v4, v4;
	v4 =	vld.idx.msk [tilespmem:v63+s10+$0x0], $0xffff  }
0xea: {  	v27 =	vor.u32 v39, v62;
	v22 =	vadd.f32 v5, v22  }
0xeb: {  	v17 =	vadd.f32 v17, v20;
	v0 =	vadd.f32 v1, v0;
	v1 =	vmul.f32 v5, v5;
	v5 =	vld.idx.msk [tilespmem:v6+s10+$0x0], $0xffff  }
0xec: {  	v6 =	vor.u32 v40, v62;
	v22 =	vadd.f32 v2, v22  }
0xed: {  	v10 =	vadd.f32 v10, v17;
	v0 =	vadd.f32 v1, v0;
	v1 =	vmul.f32 v2, v2;
	v2 =	vld.idx.msk [tilespmem:v3+s10+$0x0], $0xffff  }
0xee: {  	v3 =	vor.u32 v41, v62;
	v21 =	vadd.f32 v4, v22  }
0xef: {  	v10 =	vadd.f32 v11, v10;
	v0 =	vadd.f32 v1, v0;
	v1 =	vmul.f32 v4, v4;
	v4 =	vld.idx.msk [tilespmem:v27+s10+$0x0], $0xffff  }
0xf0: {  	v20 =	vor.u32 v42, v62;
	v21 =	vadd.f32 v5, v21  }
0xf1: {  	v10 =	vadd.f32 v12, v10;
	v0 =	vadd.f32 v1, v0;
	v1 =	vmul.f32 v5, v5;
	v5 =	vld.idx.msk [tilespmem:v6+s10+$0x0], $0xffff  }
0xf2: {  	v6 =	vor.u32 v43, v62;
	v17 =	vadd.f32 v2, v21  }
0xf3: {  	v10 =	vadd.f32 v13, v10;
	v0 =	vadd.f32 v1, v0;
	v1 =	vmul.f32 v2, v2;
	v2 =	vld.idx.msk [tilespmem:v3+s10+$0x0], $0xffff  }
0xf4: {  	v3 =	vor.u32 v44, v62;
	v11 =	vadd.f32 v4, v17  }
0xf5: {  	v10 =	vadd.f32 v14, v10;
	v0 =	vadd.f32 v1, v0;
	v1 =	vmul.f32 v4, v4;
	v4 =	vld.idx.msk [tilespmem:v20+s10+$0x0], $0xffff  }
0xf6: {  	v12 =	vor.u32 v45, v62;
	v11 =	vadd.f32 v5, v11  }
0xf7: {  	v10 =	vadd.f32 v15, v10;
	v0 =	vadd.f32 v1, v0;
	v1 =	vmul.f32 v5, v5;
	v5 =	vld.idx.msk [tilespmem:v6+s10+$0x0], $0xffff  }
0xf8: {  	v6 =	vor.u32 v46, v62;
	v11 =	vadd.f32 v2, v11  }
0xf9: {  	v10 =	vadd.f32 v16, v10;
	v0 =	vadd.f32 v1, v0;
	v1 =	vmul.f32 v2, v2;
	v2 =	vld.idx.msk [tilespmem:v3+s10+$0x0], $0xffff  }
0xfa: {  	v13 =	vadd.f32 v52, v53;
	v3 =	vor.u32 v47, v62;
	v11 =	vadd.f32 v4, v11  }
0xfb: {  	v8 =	vadd.f32 v8, v10;
	v0 =	vadd.f32 v1, v0;
	v1 =	vmul.f32 v4, v4;
	v4 =	vld.idx.msk [tilespmem:v12+s10+$0x0], $0xffff  }
0xfc: {  	v10 =	vadd.f32 v26, v13;
	v13 =	vld [tilespmem:$0x1FDA0];
	v12 =	vor.u32 v48, v62;
	v11 =	vadd.f32 v5, v11  }
0xfd: {  	v0 =	vadd.f32 v1, v0;
	v1 =	vmul.f32 v5, v5;
	v5 =	vld.idx.msk [tilespmem:v6+s10+$0x0], $0xffff  }
0xfe: {  	v6 =	vor.u32 v49, v62;
	v11 =	vadd.f32 v2, v11  }
0xff: {  	v0 =	vadd.f32 v1, v0;
	v1 =	vmul.f32 v2, v2;
	v2 =	vld.idx.msk [tilespmem:v3+s10+$0x0], $0xffff  }
0x100: {  	v3 =	vor.u32 v50, v62;
	v11 =	vadd.f32 v4, v11  }
0x101: {  	v0 =	vadd.f32 v1, v0;
	v1 =	vmul.f32 v4, v4;
	v4 =	vld.idx.msk [tilespmem:v12+s10+$0x0], $0xffff  }
0x102: {  	v8 =	vadd.f32 v13, v8;
	v13 =	vld [tilespmem:$0x1FDB0];
	v11 =	vadd.f32 v5, v11  }
0x103: {  	v0 =	vadd.f32 v1, v0;
	v1 =	vmul.f32 v5, v5;
	v5 =	vld.idx.msk [tilespmem:v6+s10+$0x0], $0xffff  }
0x104: {  	v6 =	vadd.f32 v2, v11;
	v11 =	vld [tilespmem:$0x1FDC0]  }
0x105: {  	v10 =	vadd.f32 v25, v10;
	v0 =	vadd.f32 v1, v0;
	v1 =	vmul.f32 v2, v2;
	v2 =	vld.idx.msk [tilespmem:v3+s10+$0x0], $0xffff  }
0x106: {  	v3 =	vadd.f32 v4, v6;
	v6 =	vld [tilespmem:$0x1FDD0]  }
0x107: {  	v10 =	vadd.f32 v56, v10;
	v8 =	vadd.f32 v13, v8;
	_ =	sdelay $0x1  }
0x108: {  	v10 =	vadd.f32 v55, v10;
	v8 =	vadd.f32 v11, v8  }
0x109: {  	v12 =	vor.u32 v51, v62;
	v0 =	vadd.f32 v1, v0  }
0x10a: {  	v1 =	vmul.f32 v4, v4;
	v6 =	vadd.f32 v6, v8;
	v8 =	vadd.f32 v54, v10;
	v10 =	vld [tilespmem:$0x1FDE0];
	_ =	sdelay $0x1  }
0x10b: {  	v3 =	vadd.f32 v5, v3;
	v0 =	vadd.f32 v1, v0;
	v1 =	vmul.f32 v5, v5;
	v5 =	vld [tilespmem:$0x1FDF0];
	_ =	sdelay $0x1  }
0x10c: {  	v4 =	vld.idx.msk [tilespmem:v12+s10+$0x0], $0xffff  }
0x10d: {  	v6 =	vadd.f32 v10, v6  }
0x10e: {  	v3 =	vadd.f32 v2, v3  }
0x10f: {  	v8 =	vadd.f32 v24, v8;
	v5 =	vadd.f32 v5, v6  }
0x110: {  	v0 =	vadd.f32 v1, v0;
	v1 =	vmul.f32 v2, v2  }
0x111: {  	v3 =	vadd.f32 v4, v3;
	v2 =	vmul.f32 v8, v8;
	v5 =	vadd.f32 v7, v5  }
0x112: {  	v0 =	vadd.f32 v1, v0;
	v1 =	vmul.f32 v4, v4  }
0x113: {  	v3 =	vmul.f32 v3, v3;
	v2 =	vadd.f32 v2, v57;
	v4 =	vadd.f32 v9, v5  }
0x114: {  	v0 =	vadd.f32 v1, v0  }
0x115: {  	v1 =	vadd.f32 v3, v2;
	v2 =	vadd.f32 v18, v4;
	_ =	sdelay $0x1  }
0x116: {  	v0 =	vsub.f32 v1, v0;
	v2 =	vadd.f32 v58, v2;
	_ =	sdelay $0x1  }
0x117: {  	s18 =	simm.s32 $0x0;
	v0 =	vmul.f32 $5.000000000e-01, v0;
	v1 =	vadd.f32 v19, v2  }
0x118: {  	v2 =	vmov s18  }
0x119: {  	v0 =	vadd.f32 v0, v1;
	v1 =	vand.u32 $0x1F, v2  }
0x11a: {  	v25 =	vbroadcast v1, $0x0;
	v1 =	vld [tilespmem:$0x1FFA0];
	_ =	sdelay $0x2  }
0x11b: {  	v3 =	vld [tilespmem:$0x1FFC0]  }
0x11c: {  	[tilespmem:$0x6E80] =	vst v0;
	v0 =	vld [tilespmem:$0x1FF90]  }
0x11d: {  	v4 =	vld [tilespmem:$0x1FFE0]  }
0x11e: {  	v2 =	vld [tilespmem:$0x1FFB0]  }
0x11f: {  	v19 =	vld [tilespmem:$0x1FFD0]  }
0x120: {  	v1 =	vld.idx.msk [tilespmem:v1+s11+$0x0], $0xffff;
	_ =	sdelay $0x2  }
0x121: {  	v3 =	vld.idx.msk [tilespmem:v3+s11+$0x0], $0xffff  }
0x122: {  	v0 =	vld.idx.msk [tilespmem:v0+s11+$0x0], $0xffff  }
0x123: {  	[tilespmem:$0x1FC10] =	vst v1;
	v1 =	vadd.s32 $0x1A5, v19  }
0x124: {  	v2 =	vld.idx.msk [tilespmem:v2+s11+$0x0], $0xffff;
	_ =	sdelay $0x1  }
0x125: {  	v21 =	vadd.s32 $0x3400, v23;
	v4 =	vld.idx.msk [tilespmem:v4+s11+$0x0], $0xffff;
	[tilespmem:$0x1FC30] =	vst v3;
	v3 =	vadd.s32 $0x1A6, v19  }
0x126: {  	[tilespmem:$0x1FC00] =	vst v0;
	v0 =	vor.u32 v21, v25  }
0x127: {  	v22 =	vadd.s32 $0x3420, v23;
	v1 =	vld.idx.msk [tilespmem:v1+s11+$0x0], $0xffff  }
0x128: {  	[tilespmem:$0x1FC20] =	vst v2;
	v2 =	vor.u32 v22, v25  }
0x129: {  	v24 =	vadd.s32 $0x3440, v23;
	v5 =	vadd.s32 $0x1A7, v19  }
0x12a: {  	[tilespmem:$0x1FC40] =	vst v4;
	v4 =	vor.u32 v24, v25;
	v3 =	vld.idx.msk [tilespmem:v3+s11+$0x0], $0xffff  }
0x12b: {  	v26 =	vadd.s32 $0x3460, v23;
	v6 =	vadd.s32 $0x1A8, v19;
	v0 =	vld.idx.msk [tilespmem:v0+s10+$0x0], $0xffff  }
0x12c: {  	[tilespmem:$0x1FC50] =	vst v1;
	v1 =	vor.u32 v26, v25  }
0x12d: {  	v2 =	vld.idx.msk [tilespmem:v2+s10+$0x0], $0xffff  }
0x12e: {  	v7 =	vadd.s32 $0x1A9, v19;
	v5 =	vld.idx.msk [tilespmem:v5+s11+$0x0], $0xffff  }
0x12f: {  	v52 =	vadd.s32 $0x3480, v23;
	v9 =	vadd.s32 $0x1AA, v19;
	v4 =	vld.idx.msk [tilespmem:v4+s10+$0x0], $0xffff  }
0x130: {  	v6 =	vld.idx.msk [tilespmem:v6+s11+$0x0], $0xffff;
	[tilespmem:$0x1FC60] =	vst v3;
	v3 =	vor.u32 v52, v25;
	v8 =	vmul.f32 v0, v0  }
0x131: {  	v53 =	vadd.s32 $0x34A0, v23;
	v57 =	vimm.f32 $0.0e+00;
	v11 =	vadd.s32 $0x1AB, v19;
	v1 =	vld.idx.msk [tilespmem:v1+s10+$0x0], $0xffff  }
0x132: {  	v10 =	vmul.f32 v2, v2;
	v0 =	vadd.f32 v2, v0;
	v8 =	vadd.f32 v8, v57  }
0x133: {  	v54 =	vadd.s32 $0x34C0, v23;
	[tilespmem:$0x1FC70] =	vst v5;
	v5 =	vor.u32 v53, v25;
	v2 =	vld.idx.msk [tilespmem:v7+s11+$0x0], $0xffff  }
0x134: {  	v0 =	vadd.f32 v4, v0;
	v7 =	vadd.f32 v10, v8;
	v8 =	vmul.f32 v4, v4;
	v4 =	vld.idx.msk [tilespmem:v9+s11+$0x0], $0xffff  }
0x135: {  	[tilespmem:$0x1FC80] =	vst v6;
	v6 =	vor.u32 v54, v25;
	v3 =	vld.idx.msk [tilespmem:v3+s10+$0x0], $0xffff;
	v10 =	vadd.s32 $0x1AC, v19  }
0x136: {  	v7 =	vadd.f32 v8, v7;
	v8 =	vmul.f32 v1, v1;
	v0 =	vadd.f32 v1, v0;
	v1 =	vld.idx.msk [tilespmem:v11+s11+$0x0], $0xffff  }
0x137: {  	v55 =	vadd.s32 $0x34E0, v23  }
0x138: {  	v56 =	vadd.s32 $0x3500, v23;
	[tilespmem:$0x1FC90] =	vst v2;
	v2 =	vor.u32 v55, v25  }
0x139: {  	v58 =	vadd.s32 $0x3520, v23;
	v5 =	vld.idx.msk [tilespmem:v5+s10+$0x0], $0xffff;
	v9 =	vadd.s32 $0x1AD, v19;
	[tilespmem:$0x1FCA0] =	vst v4;
	v4 =	vor.u32 v56, v25  }
0x13a: {  	v7 =	vadd.f32 v8, v7;
	v8 =	vmul.f32 v3, v3;
	v0 =	vadd.f32 v3, v0;
	v3 =	vld.idx.msk [tilespmem:v10+s11+$0x0], $0xffff  }
0x13b: {  	v6 =	vld.idx.msk [tilespmem:v6+s10+$0x0], $0xffff;
	[tilespmem:$0x1FCB0] =	vst v1;
	v1 =	vor.u32 v58, v25  }
0x13c: {  	v11 =	vadd.s32 $0x1AE, v19  }
0x13d: {  	v59 =	vadd.s32 $0x3540, v23;
	v2 =	vld.idx.msk [tilespmem:v2+s10+$0x0], $0xffff;
	v10 =	vadd.s32 $0x1AF, v19  }
0x13e: {  	v7 =	vadd.f32 v8, v7;
	v8 =	vmul.f32 v5, v5;
	v0 =	vadd.f32 v5, v0;
	v5 =	vld.idx.msk [tilespmem:v9+s11+$0x0], $0xffff  }
0x13f: {  	v4 =	vld.idx.msk [tilespmem:v4+s10+$0x0], $0xffff;
	[tilespmem:$0x1FCC0] =	vst v3;
	v3 =	vor.u32 v59, v25  }
0x140: {  	v9 =	vadd.s32 $0x1B0, v19;
	v7 =	vadd.f32 v8, v7;
	v8 =	vmul.f32 v6, v6;
	v12 =	vld.idx.msk [tilespmem:v1+s10+$0x0], $0xffff  }
0x141: {  	v0 =	vadd.f32 v6, v0;
	v1 =	vld.idx.msk [tilespmem:v11+s11+$0x0], $0xffff  }
0x142: {  	v6 =	vadd.f32 v8, v7;
	v8 =	vadd.s32 $0x1B1, v19  }
0x143: {  	v60 =	vadd.s32 $0x3560, v23;
	v7 =	vmul.f32 v2, v2;
	v0 =	vadd.f32 v2, v0;
	v2 =	vld.idx.msk [tilespmem:v10+s11+$0x0], $0xffff  }
0x144: {  	v61 =	vadd.s32 $0x3580, v23;
	v10 =	vadd.s32 $0x1B2, v19;
	[tilespmem:$0x1FCD0] =	vst v5;
	v5 =	vor.u32 v60, v25;
	v3 =	vld.idx.msk [tilespmem:v3+s10+$0x0], $0xffff  }
0x145: {  	v6 =	vadd.f32 v7, v6;
	v7 =	vmul.f32 v4, v4;
	v0 =	vadd.f32 v4, v0;
	v4 =	vld.idx.msk [tilespmem:v9+s11+$0x0], $0xffff  }
0x146: {  	v62 =	vadd.s32 $0x35A0, v23;
	[tilespmem:$0x1FCE0] =	vst v1;
	v1 =	vor.u32 v61, v25  }
0x147: {  	v6 =	vadd.f32 v7, v6;
	v8 =	vld.idx.msk [tilespmem:v8+s11+$0x0], $0xffff;
	v7 =	vmul.f32 v12, v12;
	v0 =	vadd.f32 v12, v0  }
0x148: {  	v63 =	vadd.s32 $0x35C0, v23;
	[tilespmem:$0x1FCF0] =	vst v2;
	v2 =	vor.u32 v62, v25  }
0x149: {  	v6 =	vadd.f32 v7, v6;
	v7 =	vmul.f32 v3, v3;
	v0 =	vadd.f32 v3, v0;
	v3 =	vld.idx.msk [tilespmem:v10+s11+$0x0], $0xffff  }
0x14a: {  	v5 =	vld.idx.msk [tilespmem:v5+s10+$0x0], $0xffff;
	[tilespmem:$0x1FD00] =	vst v4;
	v4 =	vor.u32 v63, v25  }
0x14b: {  	v9 =	vadd.s32 $0x1B3, v19;
	v11 =	vld.idx.msk [tilespmem:v1+s10+$0x0], $0xffff;
	v1 =	vadd.s32 $0x35E0, v23  }
0x14c: {  	[tilespmem:$0x1FD10] =	vst v8;
	v8 =	vor.u32 v1, v25  }
0x14d: {  	v12 =	vadd.s32 $0x1B4, v19  }
0x14e: {  	v14 =	vadd.s32 $0x1B5, v19;
	v13 =	vld.idx.msk [tilespmem:v2+s10+$0x0], $0xffff;
	v6 =	vadd.f32 v7, v6;
	[tilespmem:$0x1FD20] =	vst v3;
	v3 =	vadd.s32 $0x3620, v23  }
0x14f: {  	v7 =	vmul.f32 v5, v5;
	v0 =	vadd.f32 v5, v0;
	v15 =	vld.idx.msk [tilespmem:v4+s10+$0x0], $0xffff;
	v5 =	vor.u32 v3, v25  }
0x150: {  	v4 =	vld.idx.msk [tilespmem:v9+s11+$0x0], $0xffff;
	v9 =	vadd.s32 $0x1B6, v19  }
0x151: {  	v17 =	vadd.s32 $0x1B7, v19;
	v6 =	vadd.f32 v7, v6;
	v7 =	vmul.f32 v11, v11;
	v16 =	vld.idx.msk [tilespmem:v8+s10+$0x0], $0xffff  }
0x152: {  	v2 =	vadd.s32 $0x3600, v23;
	v0 =	vadd.f32 v11, v0;
	v8 =	vld.idx.msk [tilespmem:v12+s11+$0x0], $0xffff  }
0x153: {  	v18 =	vadd.s32 $0x1B8, v19;
	v10 =	vor.u32 v2, v25;
	v7 =	vadd.f32 v7, v6;
	v6 =	vld.idx.msk [tilespmem:v14+s11+$0x0], $0xffff  }
0x154: {  	v11 =	vmul.f32 v13, v13;
	v0 =	vadd.f32 v13, v0;
	v13 =	vadd.s32 $0x1B9, v19;
	v19 =	vld.idx.msk [tilespmem:v5+s10+$0x0], $0xffff  }
0x155: {  	v5 =	vld.idx.msk [tilespmem:v9+s11+$0x0], $0xffff  }
0x156: {  	v9 =	vld.idx.msk [tilespmem:v17+s11+$0x0], $0xffff  }
0x157: {  	[tilespmem:$0x1FD30] =	vst v4  }
0x158: {  	v10 =	vld.idx.msk [tilespmem:v10+s10+$0x0], $0xffff;
	v0 =	vadd.f32 v15, v0;
	[tilespmem:$0x1FD40] =	vst v8  }
0x159: {  	v4 =	vadd.s32 $0x3640, v23;
	v12 =	vmul.f32 v15, v15;
	v7 =	vadd.f32 v11, v7;
	[tilespmem:$0x1FD50] =	vst v6  }
0x15a: {  	v8 =	vor.u32 v4, v25;
	v0 =	vadd.f32 v16, v0;
	[tilespmem:$0x1FD60] =	vst v5  }
0x15b: {  	v6 =	vadd.s32 $0x3660, v23;
	v5 =	vadd.f32 v12, v7;
	v7 =	vmul.f32 v16, v16;
	[tilespmem:$0x1FD70] =	vst v9;
	v9 =	vld.idx.msk [tilespmem:v18+s11+$0x0], $0xffff  }
0x15c: {  	v11 =	vadd.s32 $0x3680, v23;
	v14 =	vor.u32 v6, v25  }
0x15d: {  	v0 =	vadd.f32 v10, v0;
	v5 =	vadd.f32 v7, v5;
	v7 =	vmul.f32 v10, v10;
	v10 =	vld.idx.msk [tilespmem:v13+s11+$0x0], $0xffff  }
0x15e: {  	v20 =	vor.u32 v11, v25  }
0x15f: {  	v12 =	vld.idx.msk [tilespmem:v8+s10+$0x0], $0xffff;
	v8 =	vadd.s32 $0x36A0, v23  }
0x160: {  	v27 =	vor.u32 v8, v25;
	[tilespmem:$0x1FD80] =	vst v9;
	v9 =	vadd.s32 $0x36C0, v23  }
0x161: {  	v15 =	vld.idx.msk [tilespmem:v14+s10+$0x0], $0xffff;
	v18 =	vor.u32 v9, v25  }
0x162: {  	v7 =	vadd.f32 v7, v5;
	v5 =	vadd.s32 $0x36E0, v23;
	[tilespmem:$0x1FD90] =	vst v10;
	v10 =	vmul.f32 v19, v19  }
0x163: {  	v16 =	vadd.f32 v19, v0;
	v17 =	vor.u32 v5, v25;
	v14 =	vld.idx.msk [tilespmem:v20+s10+$0x0], $0xffff  }
0x164: {  	s31 =	simm.s32 $0x1;
	v0 =	vmul.f32 v12, v12;
	v19 =	vadd.f32 v10, v7;
	v10 =	vadd.s32 $0x3700, v23  }
0x165: {  	s18 =	simm.s32 $0x2;
	v13 =	vld.idx.msk [tilespmem:v27+s10+$0x0], $0xffff;
	v27 =	vmov s31;
	v7 =	vadd.s32 $0x3720, v23;
	v20 =	vor.u32 v10, v25  }
.LBB2_5:
0x166: {  	p0 =	sne.s32 s18, $0x1F;
	v27 =	vand.u32 $0x1F, v27;
	v0 =	vadd.f32 v0, v19;
	v19 =	vmul.f32 v15, v15;
	v18 =	vld.idx.msk [tilespmem:v18+s10+$0x0], $0xffff  }
0x167: {  	v12 =	vadd.f32 v12, v16;
	v16 =	vor.u32 v7, v25;
	v25 =	vbroadcast v27, $0x0  }
0x168: {  	v0 =	vadd.f32 v19, v0;
	v19 =	vmul.f32 v14, v14;
	v17 =	vld.idx.msk [tilespmem:v17+s10+$0x0], $0xffff  }
0x169: {  	v12 =	vadd.f32 v15, v12;
	v27 =	vor.u32 v21, v25  }
0x16a: {  	v15 =	vmul.f32 v13, v13;
	v0 =	vadd.f32 v19, v0;
	v19 =	vld.idx.msk [tilespmem:v20+s10+$0x0], $0xffff  }
0x16b: {  	v20 =	vor.u32 v22, v25;
	v12 =	vadd.f32 v14, v12  }
0x16c: {  	v14 =	vmul.f32 v18, v18;
	v0 =	vadd.f32 v15, v0;
	v15 =	vld.idx.msk [tilespmem:v16+s10+$0x0], $0xffff  }
0x16d: {  	v16 =	vor.u32 v24, v25;
	v12 =	vadd.f32 v13, v12  }
0x16e: {  	v13 =	vld.idx.msk [tilespmem:v27+s10+$0x0], $0xffff;
	v0 =	vadd.f32 v14, v0;
	v14 =	vmul.f32 v17, v17  }
0x16f: {  	v27 =	vor.u32 v26, v25;
	v12 =	vadd.f32 v18, v12  }
0x170: {  	v18 =	vld.idx.msk [tilespmem:v20+s10+$0x0], $0xffff;
	v0 =	vadd.f32 v14, v0;
	v14 =	vmul.f32 v19, v19  }
0x171: {  	v20 =	vor.u32 v52, v25;
	v12 =	vadd.f32 v17, v12  }
0x172: {  	v16 =	vld.idx.msk [tilespmem:v16+s10+$0x0], $0xffff;
	v0 =	vadd.f32 v14, v0;
	v14 =	vmul.f32 v15, v15  }
0x173: {  	v17 =	vor.u32 v53, v25;
	v12 =	vadd.f32 v19, v12  }
0x174: {  	v19 =	vmul.f32 v13, v13;
	v27 =	vld.idx.msk [tilespmem:v27+s10+$0x0], $0xffff;
	v0 =	vadd.f32 v14, v0  }
0x175: {  	v14 =	vor.u32 v54, v25;
	v12 =	vadd.f32 v15, v12  }
0x176: {  	v15 =	vmul.f32 v18, v18;
	v0 =	vadd.f32 v19, v0;
	v19 =	vld.idx.msk [tilespmem:v20+s10+$0x0], $0xffff  }
0x177: {  	v13 =	vadd.f32 v18, v13;
	v18 =	vor.u32 v55, v25;
	v12 =	vmul.f32 v12, v12  }
0x178: {  	v0 =	vadd.f32 v15, v0;
	v15 =	vmul.f32 v16, v16;
	v17 =	vld.idx.msk [tilespmem:v17+s10+$0x0], $0xffff  }
0x179: {  	v13 =	vadd.f32 v16, v13;
	v16 =	vor.u32 v56, v25;
	v57 =	vadd.f32 v12, v57  }
0x17a: {  	v12 =	vmul.f32 v27, v27;
	v0 =	vadd.f32 v15, v0;
	v14 =	vld.idx.msk [tilespmem:v14+s10+$0x0], $0xffff  }
0x17b: {  	v13 =	vadd.f32 v27, v13;
	v15 =	vor.u32 v58, v25  }
0x17c: {  	v0 =	vadd.f32 v12, v0;
	v12 =	vmul.f32 v19, v19;
	v18 =	vld.idx.msk [tilespmem:v18+s10+$0x0], $0xffff  }
0x17d: {  	v13 =	vadd.f32 v19, v13;
	v19 =	vor.u32 v59, v25  }
0x17e: {  	v0 =	vadd.f32 v12, v0;
	v12 =	vmul.f32 v17, v17;
	v16 =	vld.idx.msk [tilespmem:v16+s10+$0x0], $0xffff  }
0x17f: {  	v13 =	vadd.f32 v17, v13;
	v17 =	vor.u32 v60, v25  }
0x180: {  	v0 =	vadd.f32 v12, v0;
	v12 =	vmul.f32 v14, v14;
	v15 =	vld.idx.msk [tilespmem:v15+s10+$0x0], $0xffff  }
0x181: {  	v13 =	vadd.f32 v14, v13;
	v14 =	vor.u32 v61, v25  }
0x182: {  	v0 =	vadd.f32 v12, v0;
	v12 =	vmul.f32 v18, v18;
	v19 =	vld.idx.msk [tilespmem:v19+s10+$0x0], $0xffff  }
0x183: {  	v13 =	vadd.f32 v18, v13;
	v18 =	vor.u32 v62, v25  }
0x184: {  	v0 =	vadd.f32 v12, v0;
	v12 =	vmul.f32 v16, v16;
	v17 =	vld.idx.msk [tilespmem:v17+s10+$0x0], $0xffff  }
0x185: {  	v13 =	vadd.f32 v16, v13;
	v16 =	vor.u32 v63, v25  }
0x186: {  	v0 =	vadd.f32 v12, v0;
	v12 =	vmul.f32 v15, v15;
	v14 =	vld.idx.msk [tilespmem:v14+s10+$0x0], $0xffff  }
0x187: {  	v13 =	vadd.f32 v15, v13;
	v15 =	vor.u32 v1, v25  }
0x188: {  	v0 =	vadd.f32 v12, v0;
	v12 =	vmul.f32 v19, v19;
	v18 =	vld.idx.msk [tilespmem:v18+s10+$0x0], $0xffff  }
0x189: {  	v13 =	vadd.f32 v19, v13;
	v19 =	vor.u32 v2, v25  }
0x18a: {  	v0 =	vadd.f32 v12, v0;
	v12 =	vmul.f32 v17, v17;
	v16 =	vld.idx.msk [tilespmem:v16+s10+$0x0], $0xffff  }
0x18b: {  	v13 =	vadd.f32 v17, v13;
	v17 =	vor.u32 v3, v25  }
0x18c: {  	v0 =	vadd.f32 v12, v0;
	v12 =	vmul.f32 v14, v14;
	v15 =	vld.idx.msk [tilespmem:v15+s10+$0x0], $0xffff  }
0x18d: {  	v13 =	vadd.f32 v14, v13;
	v14 =	vor.u32 v4, v25  }
0x18e: {  	v0 =	vadd.f32 v12, v0;
	v12 =	vmul.f32 v18, v18;
	v19 =	vld.idx.msk [tilespmem:v19+s10+$0x0], $0xffff  }
0x18f: {  	v13 =	vadd.f32 v18, v13;
	v18 =	vor.u32 v6, v25  }
0x190: {  	v0 =	vadd.f32 v12, v0;
	v12 =	vmul.f32 v16, v16;
	v17 =	vld.idx.msk [tilespmem:v17+s10+$0x0], $0xffff  }
0x191: {  	v13 =	vadd.f32 v16, v13;
	v16 =	vor.u32 v11, v25  }
0x192: {  	v20 =	vmul.f32 v15, v15;
	v0 =	vadd.f32 v12, v0;
	v12 =	vld.idx.msk [tilespmem:v14+s10+$0x0], $0xffff  }
0x193: {  	v27 =	vor.u32 v8, v25;
	v13 =	vadd.f32 v15, v13  }
0x194: {  	v14 =	vmul.f32 v19, v19;
	v0 =	vadd.f32 v20, v0;
	v15 =	vld.idx.msk [tilespmem:v18+s10+$0x0], $0xffff  }
.Ltmp1:
0x195: {  	v13 =	vadd.f32 v19, v13;
	v18 =	vor.u32 v9, v25;
	(pc) =	sbr.rel @p0 .LBB2_5-.Ltmp1, $4  }
0x196: {  	v19 =	vmul.f32 v17, v17;
	v0 =	vadd.f32 v14, v0;
	v14 =	vld.idx.msk [tilespmem:v16+s10+$0x0], $0xffff  }
0x197: {  	v16 =	vadd.f32 v17, v13;
	v17 =	vor.u32 v5, v25  }
0x198: {  	v19 =	vadd.f32 v19, v0;
	v0 =	vmul.f32 v12, v12;
	v13 =	vld.idx.msk [tilespmem:v27+s10+$0x0], $0xffff  }
0x199: {  	v20 =	vor.u32 v10, v25;
	v27 =	vmov s18;
	s18 =	sadd.s32 $0x1, s18  }
0x19a: {  	_ =	sdelay $0x1  }
0x19b: {  	v0 =	vadd.f32 v0, v19;
	v19 =	vmul.f32 v15, v15;
	_ =	sdelay $0x1  }
0x19c: {  	v18 =	vld.idx.msk [tilespmem:v18+s10+$0x0], $0xffff;
	v0 =	vadd.f32 v19, v0;
	v19 =	vand.u32 $0x1F, v27  }
0x19d: {  	v27 =	vor.u32 v7, v25;
	v25 =	vmul.f32 v14, v14;
	v19 =	vbroadcast v19, $0x0  }
0x19e: {  	v17 =	vld.idx.msk [tilespmem:v17+s10+$0x0], $0xffff  }
0x19f: {  	v0 =	vadd.f32 v25, v0;
	v25 =	vmul.f32 v13, v13;
	v21 =	vor.u32 v21, v19  }
0x1a0: {  	v20 =	vld.idx.msk [tilespmem:v20+s10+$0x0], $0xffff  }
0x1a1: {  	v22 =	vor.u32 v22, v19;
	v25 =	vadd.f32 v25, v0;
	v0 =	vmul.f32 v18, v18  }
0x1a2: {  	v27 =	vld.idx.msk [tilespmem:v27+s10+$0x0], $0xffff  }
0x1a3: {  	v24 =	vor.u32 v24, v19;
	v0 =	vadd.f32 v0, v25;
	v25 =	vmul.f32 v17, v17  }
0x1a4: {  	v26 =	vor.u32 v26, v19;
	v21 =	vld.idx.msk [tilespmem:v21+s10+$0x0], $0xffff  }
0x1a5: {  	v0 =	vadd.f32 v25, v0;
	v25 =	vmul.f32 v20, v20  }
0x1a6: {  	v22 =	vld.idx.msk [tilespmem:v22+s10+$0x0], $0xffff  }
0x1a7: {  	v52 =	vor.u32 v52, v19;
	v0 =	vadd.f32 v25, v0;
	v25 =	vmul.f32 v27, v27  }
0x1a8: {  	v24 =	vld.idx.msk [tilespmem:v24+s10+$0x0], $0xffff  }
0x1a9: {  	v53 =	vor.u32 v53, v19;
	v0 =	vadd.f32 v25, v0;
	v25 =	vld.idx.msk [tilespmem:v26+s10+$0x0], $0xffff;
	v26 =	vmul.f32 v21, v21  }
0x1aa: {  	v54 =	vor.u32 v54, v19  }
0x1ab: {  	v21 =	vadd.f32 v22, v21;
	v22 =	vmul.f32 v22, v22;
	v0 =	vadd.f32 v26, v0  }
0x1ac: {  	v26 =	vld.idx.msk [tilespmem:v52+s10+$0x0], $0xffff;
	v52 =	vor.u32 v55, v19  }
0x1ad: {  	v21 =	vadd.f32 v24, v21;
	v0 =	vadd.f32 v22, v0;
	v22 =	vmul.f32 v24, v24  }
0x1ae: {  	v24 =	vld.idx.msk [tilespmem:v53+s10+$0x0], $0xffff  }
0x1af: {  	v21 =	vadd.f32 v25, v21;
	v0 =	vadd.f32 v22, v0;
	v22 =	vmul.f32 v25, v25;
	v25 =	vld.idx.msk [tilespmem:v54+s10+$0x0], $0xffff  }
0x1b0: {  	v53 =	vor.u32 v56, v19;
	v54 =	vor.u32 v58, v19;
	v58 =	vld [tilespmem:$0x1FC10]  }
0x1b1: {  	v21 =	vadd.f32 v26, v21;
	v0 =	vadd.f32 v22, v0;
	v22 =	vmul.f32 v26, v26;
	v26 =	vld.idx.msk [tilespmem:v52+s10+$0x0], $0xffff  }
0x1b2: {  	v52 =	vld [tilespmem:$0x1FC00];
	_ =	sdelay $0x1  }
0x1b3: {  	v55 =	vor.u32 v59, v19;
	v59 =	vld [tilespmem:$0x1FC20]  }
0x1b4: {  	v21 =	vadd.f32 v24, v21;
	v0 =	vadd.f32 v22, v0;
	v22 =	vmul.f32 v24, v24;
	v24 =	vld.idx.msk [tilespmem:v53+s10+$0x0], $0xffff  }
0x1b5: {  	v53 =	vor.u32 v60, v19;
	v60 =	vld [tilespmem:$0x1FC30]  }
0x1b6: {  	v52 =	vadd.f32 v58, v52  }
0x1b7: {  	v21 =	vadd.f32 v25, v21;
	v0 =	vadd.f32 v22, v0;
	v22 =	vmul.f32 v25, v25  }
0x1b8: {  	v25 =	vld.idx.msk [tilespmem:v54+s10+$0x0], $0xffff;
	v58 =	vor.u32 v61, v19;
	v52 =	vadd.f32 v59, v52  }
0x1b9: {  	v21 =	vadd.f32 v26, v21;
	v61 =	vld [tilespmem:$0x1FC50];
	v0 =	vadd.f32 v22, v0  }
0x1ba: {  	v22 =	vmul.f32 v26, v26;
	v59 =	vld [tilespmem:$0x1FC40];
	v52 =	vadd.f32 v60, v52;
	v60 =	vor.u32 v62, v19  }
0x1bb: {  	v26 =	vld.idx.msk [tilespmem:v55+s10+$0x0], $0xffff;
	v21 =	vadd.f32 v24, v21  }
0x1bc: {  	v0 =	vadd.f32 v22, v0;
	v22 =	vmul.f32 v24, v24;
	v24 =	vld.idx.msk [tilespmem:v53+s10+$0x0], $0xffff;
	v62 =	vor.u32 v63, v19  }
0x1bd: {  	v63 =	vld.idx.msk [tilespmem:v58+s10+$0x0], $0xffff  }
0x1be: {  	v21 =	vadd.f32 v25, v21;
	v0 =	vadd.f32 v22, v0;
	v22 =	vmul.f32 v25, v25;
	v58 =	vld [tilespmem:$0x1FC60]  }
0x1bf: {  	v1 =	vor.u32 v1, v19;
	v52 =	vadd.f32 v59, v52;
	v59 =	vld.idx.msk [tilespmem:v60+s10+$0x0], $0xffff  }
0x1c0: {  	v21 =	vadd.f32 v26, v21;
	v0 =	vadd.f32 v22, v0;
	v22 =	vmul.f32 v26, v26;
	v60 =	vld [tilespmem:$0x1FC70]  }
0x1c1: {  	v2 =	vor.u32 v2, v19;
	v52 =	vadd.f32 v61, v52;
	v61 =	vld.idx.msk [tilespmem:v62+s10+$0x0], $0xffff  }
0x1c2: {  	v21 =	vadd.f32 v24, v21;
	v0 =	vadd.f32 v22, v0;
	v22 =	vmul.f32 v24, v24;
	v62 =	vld [tilespmem:$0x1FC80]  }
0x1c3: {  	v3 =	vor.u32 v3, v19;
	v52 =	vadd.f32 v58, v52  }
0x1c4: {  	v21 =	vadd.f32 v63, v21;
	v0 =	vadd.f32 v22, v0;
	v22 =	vmul.f32 v63, v63;
	v63 =	vld [tilespmem:$0x1FC90]  }
0x1c5: {  	v4 =	vor.u32 v4, v19;
	v1 =	vld.idx.msk [tilespmem:v1+s10+$0x0], $0xffff;
	v52 =	vadd.f32 v60, v52  }
0x1c6: {  	v53 =	vld [tilespmem:$0x1FCA0];
	v0 =	vadd.f32 v22, v0;
	v21 =	vadd.f32 v59, v21;
	v22 =	vmul.f32 v59, v59  }
0x1c7: {  	v6 =	vor.u32 v6, v19;
	v2 =	vld.idx.msk [tilespmem:v2+s10+$0x0], $0xffff;
	v52 =	vadd.f32 v62, v52  }
0x1c8: {  	v54 =	vld [tilespmem:$0x1FCB0];
	v21 =	vadd.f32 v61, v21;
	v0 =	vadd.f32 v22, v0;
	v22 =	vmul.f32 v61, v61  }
0x1c9: {  	v11 =	vor.u32 v11, v19;
	v3 =	vld.idx.msk [tilespmem:v3+s10+$0x0], $0xffff;
	v25 =	vadd.f32 v63, v52  }
0x1ca: {  	v21 =	vadd.f32 v1, v21;
	v0 =	vadd.f32 v22, v0;
	v1 =	vmul.f32 v1, v1;
	v22 =	vld [tilespmem:$0x1FCC0]  }
0x1cb: {  	v4 =	vld.idx.msk [tilespmem:v4+s10+$0x0], $0xffff;
	v25 =	vadd.f32 v53, v25  }
0x1cc: {  	v8 =	vor.u32 v8, v19;
	v55 =	vld [tilespmem:$0x1FCD0];
	v0 =	vadd.f32 v1, v0;
	v1 =	vmul.f32 v2, v2  }
0x1cd: {  	v21 =	vadd.f32 v2, v21;
	v2 =	vld.idx.msk [tilespmem:v6+s10+$0x0], $0xffff;
	v24 =	vadd.f32 v54, v25  }
0x1ce: {  	v12 =	vadd.f32 v12, v16;
	v58 =	vld [tilespmem:$0x1FCE0];
	v0 =	vadd.f32 v1, v0;
	v1 =	vmul.f32 v3, v3  }
0x1cf: {  	v9 =	vor.u32 v9, v19;
	v56 =	vadd.f32 v3, v21;
	v3 =	vld.idx.msk [tilespmem:v11+s10+$0x0], $0xffff;
	v22 =	vadd.f32 v22, v24  }
0x1d0: {  	v12 =	vadd.f32 v15, v12;
	v61 =	vld [tilespmem:$0x1FCF0];
	v0 =	vadd.f32 v1, v0;
	v1 =	vmul.f32 v4, v4  }
0x1d1: {  	v5 =	vor.u32 v5, v19;
	v60 =	vld.idx.msk [tilespmem:v8+s10+$0x0], $0xffff;
	v59 =	vadd.f32 v4, v56;
	v6 =	vadd.f32 v55, v22  }
0x1d2: {  	v16 =	vld [tilespmem:$0x1FD00];
	v12 =	vadd.f32 v14, v12;
	v0 =	vadd.f32 v1, v0;
	v1 =	vmul.f32 v2, v2  }
0x1d3: {  	v62 =	vor.u32 v10, v19;
	v25 =	vld [tilespmem:$0x1FD10];
	v63 =	vadd.f32 v2, v59;
	v6 =	vadd.f32 v58, v6  }
0x1d4: {  	v14 =	vadd.f32 v13, v12;
	v2 =	vld.idx.msk [tilespmem:v9+s10+$0x0], $0xffff;
	v0 =	vadd.f32 v1, v0;
	v1 =	vmul.f32 v3, v3  }
0x1d5: {  	v15 =	vor.u32 v7, v19;
	v19 =	vadd.f32 v3, v63;
	v6 =	vadd.f32 v61, v6  }
0x1d6: {  	v24 =	vadd.f32 v18, v14;
	v3 =	vld.idx.msk [tilespmem:v5+s10+$0x0], $0xffff;
	v0 =	vadd.f32 v1, v0;
	v1 =	vmul.f32 v60, v60  }
0x1d7: {  	v54 =	vld [tilespmem:$0x1FD20];
	v26 =	vadd.f32 v60, v19;
	v6 =	vadd.f32 v16, v6  }
0x1d8: {  	v53 =	vld.idx.msk [tilespmem:v62+s10+$0x0], $0xffff;
	v52 =	vadd.f32 v17, v24;
	v0 =	vadd.f32 v1, v0  }
0x1d9: {  	v56 =	vld [tilespmem:$0x1FD30];
	v1 =	vmul.f32 v2, v2;
	v5 =	vadd.f32 v25, v6;
	v6 =	vadd.f32 v2, v26  }
0x1da: {  	v55 =	vadd.f32 v20, v52;
	v2 =	vld.idx.msk [tilespmem:v15+s10+$0x0], $0xffff  }
0x1db: {  	v0 =	vadd.f32 v1, v0;
	v1 =	vmul.f32 v3, v3;
	v6 =	vadd.f32 v3, v6;
	v3 =	vld [tilespmem:$0x1FD40]  }
0x1dc: {  	v5 =	vadd.f32 v54, v5  }
0x1dd: {  	v58 =	vadd.f32 v27, v55  }
0x1de: {  	v5 =	vadd.f32 v56, v5;
	v59 =	vadd.f32 v53, v6  }
0x1df: {  	v0 =	vadd.f32 v1, v0;
	v1 =	vmul.f32 v53, v53  }
0x1e0: {  	v60 =	vld [tilespmem:$0x1FD50];
	v61 =	vmul.f32 v58, v58;
	v3 =	vadd.f32 v3, v5;
	v5 =	vadd.f32 v2, v59  }
0x1e1: {  	v0 =	vadd.f32 v1, v0  }
0x1e2: {  	v62 =	vld [tilespmem:$0x1FD60];
	v1 =	vmul.f32 v2, v2;
	v2 =	vadd.f32 v61, v57;
	v63 =	vmul.f32 v5, v5;
	_ =	sdelay $0x1  }
0x1e3: {  	v0 =	vadd.f32 v1, v0;
	v1 =	vadd.f32 v63, v2;
	v2 =	vld [tilespmem:$0x1FD70]  }
0x1e4: {  	v3 =	vadd.f32 v60, v3;
	_ =	sdelay $0x1  }
0x1e5: {  	v3 =	vadd.f32 v62, v3;
	_ =	sdelay $0x1  }
0x1e6: {  	v2 =	vadd.f32 v2, v3;
	v3 =	vld [tilespmem:$0x1FD80];
	_ =	sdelay $0x1  }
0x1e7: {  	v0 =	vsub.f32 v1, v0;
	v1 =	vld [tilespmem:$0x1FD90];
	_ =	sdelay $0x2  }
0x1e8: {  	v2 =	vadd.f32 v3, v2;
	_ =	sdelay $0x1  }
0x1e9: {  	v0 =	vmul.f32 $5.000000000e-01, v0;
	v1 =	vadd.f32 v1, v2;
	_ =	sdelay $0x1  }
0x1ea: {  	s16 =	sadd.s32 $0x1, s16;
	v0 =	vadd.f32 v0, v1  }
0x1eb: {  	s17 =	sshrl.u32 s17, $0x3;
	p0 =	sne.s32 s16, $0x10  }
.Ltmp2:
0x1ec: {  	s17 =	sadd.s32 s2, s17;
	[tilespmem:$0x6E90] =	vst v0;
	(pc) =	sbr.rel @p0 .LBB2_2-.Ltmp2, $4  }
0x1ed: {  	[hbm4b:s17+s3] =	stream.linear.scatter [tilespmem:s14], [sflag:$0x3], $0x20, $0x38;
	[tilespmem:$0x6EA0] =	vst v63  }
0x1ee: {  	_ =	swait.ge [sflag:s9], $0x20  }
0x1ef: {  	[sflag:s9] =	ssyncset.done $0x0  }
0x1f0: {  	v2 =	vld [tilespmem:$0x1FFF0];
	[sflag:s9] =	ssyncadd.s32 $0xFFFFFFE0  }
0x1f1: {  	s15 =	sadd.s32 $0x1, s15  }
0x1f2: {  	p0 =	sne.s32 s15, s8  }
.Ltmp3:
0x1f3: {  	_ = 	snop;
	(pc) =	sbr.rel @p0 .LBB2_1-.Ltmp3, $1  }
0x1f4: {  	_ =	sdelay $0x3  }
0x1f5: {  	_ =	sfence.sel $0x180000  }
0x1f6: {  	[bflag:$0x0] =	sbarrier.arrive $0xFFFF  }
0x1f7: {  	p0 =	sne.s32 s5, $0x0;
	_ =	strace $0x90000047  }
0x1f8: {  	s0 =	sadd.s32 @!p0 $0x100000, s1;
	[bflag:$0x2] =	sbarrier.arrive $0xFFFF  }
0x1f9: {  	[sflag:s0] =	ssyncadd.tile.s32 @!p0 $0x1;
	_ =	shalt  }
.Lfunc_end2:
_tile_overlayer_lowered:
.L_overlay_start_2:
0x1fa: {  	(tag) =	ssettag $0x2  }
0x1fb: {  	s0 =	rddreg [dreg:$0x0];
	s2 =	stileid.u32  }
0x1fc: {  	s1 =	rddreg [dreg:$0x1];
	p0 =	sne.s32 s2, $0x0  }
0x1fd: {  	s3 =	rddreg [dreg:$0x2];
	[bflag:$0x3] =	sbarrier.arrive $0xFFFF;
	s2 =	simm.s32 @!p0 $0x1C03  }
0x1fe: {  	[timem:s3], [sflag:s2] =	dma.local @!p0 [hbm:s0], s1  }
0x1ff: {  	s0 =	simm.s32 @!p0 $0x3  }
0x200: {  	_ =	swait.ge @!p0 [sflag:s0], s1  }
0x201: {  	s1 =	ssub.s32 @!p0 $0x0, s1;
	[sflag:s0] =	ssyncset.done @!p0 $0x0  }
0x202: {  	[sflag:s0] =	ssyncadd.s32 @!p0 s1  }
0x203: {  	[bflag:$0x3] =	sbarrier.arrive $0xFFFF  }
0x204: {  	_ =	shalt  }

</sc_bundles>
